<compile_context>
chip_gen: v7x
topology: tpu7x:2x2x1
jax: 0.10.2.dev20260603
libtpu: 0.0.44.dev20260713+nightly
codegen_flags: <defaults>
</compile_context>

<pallas_src>
import functools

import jax
import jax.numpy as jnp
from jax import lax
from jax.experimental import pallas as pl
from jax.experimental.pallas import tpu as pltpu
from jax.experimental.pallas import tpu_sc as plsc

_N = 10000
_D = 128
_H = 128
_C = 64

_NC, _NS = 2, 16
_NW = _NC * _NS
_K = 128
_NP = 10240
_ZR = _NP // _NS
_BN = 1280
_GRID = _NP // _BN

_mesh = plsc.VectorSubcoreMesh(core_axis_name="c", subcore_axis_name="s")


def _deg_body(nchunks, dst_hbm, out_hbm, idx_buf, hist):
    c = lax.axis_index("c")
    s = lax.axis_index("s")
    wid = c * _NS + s
    epw = nchunks * _K

    def zero(i, carry):
        hist[pl.ds(i * 16, 16)] = jnp.zeros((16,), jnp.float32)
        return carry

    lax.fori_loop(0, _NP // 16, zero, 0)
    pltpu.sync_copy(dst_hbm.at[pl.ds(wid * epw, epw)], idx_buf)

    def body(i, carry):
        idx = idx_buf[pl.ds(i * 16, 16)]
        cnt, last = plsc.scan_count(idx)
        plsc.addupdate_scatter(hist, [idx], cnt.astype(jnp.float32), mask=last)
        return carry

    lax.fori_loop(0, epw // 16, body, 0)
    pltpu.sync_copy(hist, out_hbm.at[wid])


_NBUF = 2


def _agg_body(nchunks, width, y_hbm, src_hbm, dst_hbm, out_hbm,
              sidx, didx0, didx1, rows, shared, gsem0, gsem1, dsem0, dsem1):
    c = lax.axis_index("c")
    s = lax.axis_index("s")
    wid = c * _NS + s
    epw = nchunks * _K
    didxs = [didx0, didx1]
    gsems = [gsem0, gsem1]
    dsems = [dsem0, dsem1]
    ngrp = nchunks // _NBUF

    def zrow(r, carry):
        for q in range(width // 16):
            rows[0, r, pl.ds(q * 16, 16)] = jnp.zeros((16,), jnp.float32)
        return carry

    lax.fori_loop(0, _K, zrow, 0)
    for q in range(_ZR // _K):
        pltpu.sync_copy(rows.at[0], shared.at[pl.ds(s * _ZR + q * _K, _K)])
    pltpu.sync_copy(src_hbm.at[pl.ds(wid * epw, epw)], sidx)
    plsc.subcore_barrier()

    for b in range(_NBUF):
        pltpu.async_copy(dst_hbm.at[pl.ds(wid * epw + b * _K, _K)], didxs[b], dsems[b])
        pltpu.async_copy(y_hbm.at[sidx.at[pl.ds(b * _K, _K)]], rows.at[b], gsems[b])

    def outer(g, carry):
        for b in range(_NBUF):
            j = g * _NBUF + b
            pltpu.make_async_copy(
                dst_hbm.at[pl.ds(wid * epw + j * _K, _K)], didxs[b], dsems[b]
            ).wait()
            pltpu.make_async_copy(
                y_hbm.at[sidx.at[pl.ds(j * _K, _K)]], rows.at[b], gsems[b]
            ).wait()
            pltpu.sync_copy(rows.at[b], shared.at[didxs[b]], add=True)

            @pl.when(g < ngrp - 1)
            def _():
                pltpu.async_copy(
                    dst_hbm.at[pl.ds(wid * epw + (j + _NBUF) * _K, _K)],
                    didxs[b], dsems[b],
                )
                pltpu.async_copy(
                    y_hbm.at[sidx.at[pl.ds((j + _NBUF) * _K, _K)]],
                    rows.at[b], gsems[b],
                )

        return carry

    lax.fori_loop(0, ngrp, outer, 0)
    plsc.subcore_barrier()
    pltpu.sync_copy(shared.at[pl.ds(s * _ZR, _ZR)], out_hbm.at[c, pl.ds(s * _ZR, _ZR)])


def _make_deg(nchunks):
    return pl.kernel(
        functools.partial(_deg_body, nchunks),
        out_type=jax.ShapeDtypeStruct((_NW, _NP), jnp.float32),
        mesh=_mesh,
        scratch_types=[
            pltpu.VMEM((nchunks * _K,), jnp.int32),
            pltpu.VMEM((_NP,), jnp.float32),
        ],
        compiler_params=pltpu.CompilerParams(needs_layout_passes=False),
    )


def _make_agg(nchunks, width, linear=False):
    return pl.kernel(
        functools.partial(_agg_body, nchunks, width),
        out_type=jax.ShapeDtypeStruct((_NC, _NP, width), jnp.float32),
        mesh=_mesh,
        scratch_types=[
            pltpu.VMEM((nchunks * _K,), jnp.int32),
            pltpu.VMEM((_K,), jnp.int32),
            pltpu.VMEM((_K,), jnp.int32),
            pltpu.VMEM((_NBUF, _K, width), jnp.float32),
            pltpu.VMEM_SHARED((_NP, width), jnp.float32),
            pltpu.SemaphoreType.DMA,
            pltpu.SemaphoreType.DMA,
            pltpu.SemaphoreType.DMA,
            pltpu.SemaphoreType.DMA,
        ],
        compiler_params=(
            pltpu.CompilerParams(use_tc_tiling_on_sc=False) if linear else None
        ),
    )


def _scale_matmul_body(degp_ref, x_ref, w_ref, y_ref, dis_ref):
    deg = jnp.sum(degp_ref[...], axis=0)
    dis = jnp.where(deg > 0, lax.rsqrt(deg), 0.0)
    dis_ref[...] = dis[None, :]
    xw = jnp.dot(x_ref[...], w_ref[...], preferred_element_type=jnp.float32)
    y_ref[...] = xw * dis[:, None]


def _mid_body(zp_ref, dis_ref, b1_ref, w2_ref, y2_ref):
    z = zp_ref[0] + zp_ref[1]
    dis = dis_ref[0][:, None]
    h = jnp.maximum(dis * z + b1_ref[...], 0.0)
    y2_ref[...] = jnp.dot(h, w2_ref[...], preferred_element_type=jnp.float32) * dis


def _out_body(zp_ref, dis_ref, b2_ref, o_ref):
    z = zp_ref[0] + zp_ref[1]
    dis = dis_ref[0][:, None]
    o = dis * z + b2_ref[...]
    m = jnp.max(o, axis=1, keepdims=True)
    e = jnp.exp(o - m)
    o_ref[...] = o - m - jnp.log(jnp.sum(e, axis=1, keepdims=True))


_scale_matmul = pl.pallas_call(
    _scale_matmul_body,
    grid=(_GRID,),
    in_specs=[
        pl.BlockSpec((_NW, _BN), lambda i: (0, i)),
        pl.BlockSpec((_BN, _D), lambda i: (i, 0)),
        pl.BlockSpec((_D, _H), lambda i: (0, 0)),
    ],
    out_specs=[
        pl.BlockSpec((_BN, _H), lambda i: (i, 0)),
        pl.BlockSpec((1, _BN), lambda i: (0, i)),
    ],
    out_shape=[
        jax.ShapeDtypeStruct((_NP, _H), jnp.float32),
        jax.ShapeDtypeStruct((1, _NP), jnp.float32),
    ],
)

_mid = pl.pallas_call(
    _mid_body,
    grid=(_GRID,),
    in_specs=[
        pl.BlockSpec((_NC, _BN, _H), lambda i: (0, i, 0)),
        pl.BlockSpec((1, _BN), lambda i: (0, i)),
        pl.BlockSpec((1, _H), lambda i: (0, 0)),
        pl.BlockSpec((_H, _C), lambda i: (0, 0)),
    ],
    out_specs=pl.BlockSpec((_BN, _C), lambda i: (i, 0)),
    out_shape=jax.ShapeDtypeStruct((_NP, _C), jnp.float32),
)

_outk = pl.pallas_call(
    _out_body,
    grid=(_GRID,),
    in_specs=[
        pl.BlockSpec((_NC, _BN, _C), lambda i: (0, i, 0)),
        pl.BlockSpec((1, _BN), lambda i: (0, i)),
        pl.BlockSpec((1, _C), lambda i: (0, 0)),
    ],
    out_specs=pl.BlockSpec((_BN, _C), lambda i: (i, 0)),
    out_shape=jax.ShapeDtypeStruct((_NP, _C), jnp.float32),
)


def kernel(x, edge_index, W1, b1, W2, b2):
    E = edge_index.shape[1]
    etot = E + _N
    grain = _NW * _K * _NBUF
    epad = -(-etot // grain) * grain
    nchunks = epad // (_NW * _K)

    loop = jnp.arange(_N, dtype=jnp.int32)
    padi = jnp.arange(epad - etot, dtype=jnp.int32) % 16
    src_p = jnp.concatenate([edge_index[0].astype(jnp.int32), loop, padi])
    dst_p = jnp.concatenate([edge_index[1].astype(jnp.int32), loop, _N + padi])

    x_p = jnp.pad(x, ((0, _NP - _N), (0, 0)))

    degp = _make_deg(nchunks)(dst_p)
    y1, dis8 = _scale_matmul(degp, x_p, W1)
    zp1 = _make_agg(nchunks, _H)(y1, src_p, dst_p)
    y2 = _mid(zp1, dis8, b1.reshape(1, _H), W2)
    zp2 = _make_agg(nchunks, _C, linear=True)(y2, src_p, dst_p)
    return _outk(zp2, dis8, b2.reshape(1, _C))[:_N]

# --- scband reference (transcript-rebuilt; emitter-appended) ---
"""Pipeline reference for scband-gcn-7069516169348 (READ-ONLY COPY).

The authoritative reference and input builder live on the scoring server;
editing this copy changes nothing except your own understanding.
"""

import jax, jax.numpy as jnp
import numpy as np

N = 10000
E = 320000
D = 128
H = 128
C = 64


def setup_inputs(seed: int = 0) -> dict:
    key = jax.random.key(seed)
    k1, k2, k3, k4 = jax.random.split(key, 4)
    x = jax.random.normal(k1, (N, D), dtype=jnp.float32)
    edge_index = jax.random.randint(k2, (2, E), 0, N, dtype=jnp.int32)
    # GCNConv weights (glorot-style init) and biases
    W1 = jax.random.normal(k3, (D, H), dtype=jnp.float32) * jnp.sqrt(2.0 / (D + H))
    b1 = jnp.zeros((H,), dtype=jnp.float32)
    W2 = jax.random.normal(k4, (H, C), dtype=jnp.float32) * jnp.sqrt(2.0 / (H + C))
    b2 = jnp.zeros((C,), dtype=jnp.float32)
    return {"x": x, "edge_index": edge_index, "W1": W1, "b1": b1, "W2": W2, "b2": b2}


def _gcn_conv(x, src, dst, W, b, num_nodes):
    # PyG GCNConv: add self-loops, symmetric normalization, linear, scatter-add, bias
    xw = x @ W
    deg = jnp.zeros((num_nodes,), dtype=x.dtype).at[dst].add(1.0)
    deg_inv_sqrt = jnp.where(deg > 0, jax.lax.rsqrt(jnp.maximum(deg, 1e-12)), 0.0)
    norm = deg_inv_sqrt[src] * deg_inv_sqrt[dst]
    msg = xw[src] * norm[:, None]
    out = jnp.zeros((num_nodes, W.shape[1]), dtype=x.dtype).at[dst].add(msg)
    return out + b


def reference(x, edge_index, W1, b1, W2, b2):
    num_nodes = x.shape[0]
    loop = jnp.arange(num_nodes, dtype=edge_index.dtype)
    src = jnp.concatenate([edge_index[0], loop])
    dst = jnp.concatenate([edge_index[1], loop])
    h = _gcn_conv(x, src, dst, W1, b1, num_nodes)
    h = jax.nn.relu(h)
    # dropout p=0.5 is identity in eval mode (self.training=False)
    h = _gcn_conv(h, src, dst, W2, b2, num_nodes)
    return jax.nn.log_softmax(h, axis=1)

if __name__ == "__main__":
    import jax
    _d = setup_inputs()
    print(jax.jit(kernel)(*tuple(_d.values())))

</pallas_src>

<mosaic_0001>
#map = affine_map<(d0, d1) -> (0, 0)>
#map1 = affine_map<(d0, d1) -> (0)>
#map2 = affine_map<(d0, d1) -> (0, 0, 0)>
module attributes {stable_mosaic.version = 14 : i64} {
  func.func @_agg_body(%arg0: i32, %arg1: i32, %arg2: memref<10240x64xf32, #tpu.memory_space<hbm>>, %arg3: memref<335872xi32, #tpu.memory_space<hbm>>, %arg4: memref<335872xi32, #tpu.memory_space<hbm>>, %arg5: memref<2x10240x64xf32, #tpu.memory_space<hbm>>, %arg6: memref<10496xi32, #tpu.memory_space<vmem>>, %arg7: memref<128xi32, #tpu.memory_space<vmem>>, %arg8: memref<128xi32, #tpu.memory_space<vmem>>, %arg9: memref<2x128x64xf32, #tpu.memory_space<vmem>>, %arg10: memref<10240x64xf32, #tpu.memory_space<vmem_shared>>, %arg11: memref<!tpu.dma_semaphore, #tpu.memory_space<semaphore_mem>>, %arg12: memref<!tpu.dma_semaphore, #tpu.memory_space<semaphore_mem>>, %arg13: memref<!tpu.dma_semaphore, #tpu.memory_space<semaphore_mem>>, %arg14: memref<!tpu.dma_semaphore, #tpu.memory_space<semaphore_mem>>) attributes {dimension_semantics = [#tpu.dimension_semantics<core_parallel>, #tpu.dimension_semantics<subcore_parallel>], iteration_bounds = array<i64: 2, 16>, scalar_prefetch = 0 : i64, scratch_operands = 9 : i64, tpu.core_type = #tpu.core_type<sc_vector_subcore>, window_params = [{transform_indices = #map}, {transform_indices = #map1}, {transform_indices = #map1}, {transform_indices = #map2}]} {
    %mul3A = arith.constant 16 : i32
    %mul3A_0 = arith.muli %arg0, %mul3A : i32
    %add3A = arith.addi %mul3A_0, %arg1 : i32
    %scan3A = arith.constant 0 : i32
    %scan3A_1 = arith.constant 0 : i32
    %scan3A_2 = arith.constant 128 : i32
    %scan3A_3 = arith.addi %scan3A_1, %scan3A_2 : i32
    %scan3A_4 = arith.constant 1 : i32
    scf.for %scan3A_74 = %scan3A_1 to %scan3A_3 step %scan3A_4  : i32 {
      %broadcast_in_dim3A = arith.constant 0.000000e+00 : f32
      %broadcast_in_dim3A_75 = vector.broadcast %broadcast_in_dim3A : f32 to vector<16xf32>
      %swap3A = arith.constant 0 : i32
      %swap3A_76 = arith.index_cast %swap3A : i32 to index
      %swap3A_77 = arith.index_cast %scan3A_74 : i32 to index
      %swap3A_78 = arith.constant 0 : index
      %swap3A_79 = tpu.vector_load %arg9[%swap3A_76, %swap3A_77, %swap3A_78] {strides = array<i32>} : memref<2x128x64xf32, #tpu.memory_space<vmem>>, vector<1x1x16xf32>,
      %swap3A_80 = vector.shape_cast %swap3A_79 : vector<1x1x16xf32> to vector<16xf32>
      %swap3A_81 = vector.shape_cast %broadcast_in_dim3A_75 : vector<16xf32> to vector<1x1x16xf32>
      tpu.vector_store %arg9[%swap3A_76, %swap3A_77, %swap3A_78], %swap3A_81 {strides = array<i32>} : memref<2x128x64xf32, #tpu.memory_space<vmem>>, vector<1x1x16xf32>,
      %broadcast_in_dim3A_82 = arith.constant 0.000000e+00 : f32
      %broadcast_in_dim3A_83 = vector.broadcast %broadcast_in_dim3A_82 : f32 to vector<16xf32>
      %swap3A_84 = arith.constant 0 : i32
      %swap3A_85 = arith.index_cast %swap3A_84 : i32 to index
      %swap3A_86 = arith.index_cast %scan3A_74 : i32 to index
      %swap3A_87 = arith.constant 16 : index
      %swap3A_88 = tpu.vector_load %arg9[%swap3A_85, %swap3A_86, %swap3A_87] {strides = array<i32>} : memref<2x128x64xf32, #tpu.memory_space<vmem>>, vector<1x1x16xf32>,
      %swap3A_89 = vector.shape_cast %swap3A_88 : vector<1x1x16xf32> to vector<16xf32>
      %swap3A_90 = vector.shape_cast %broadcast_in_dim3A_83 : vector<16xf32> to vector<1x1x16xf32>
      tpu.vector_store %arg9[%swap3A_85, %swap3A_86, %swap3A_87], %swap3A_90 {strides = array<i32>} : memref<2x128x64xf32, #tpu.memory_space<vmem>>, vector<1x1x16xf32>,
      %broadcast_in_dim3A_91 = arith.constant 0.000000e+00 : f32
      %broadcast_in_dim3A_92 = vector.broadcast %broadcast_in_dim3A_91 : f32 to vector<16xf32>
      %swap3A_93 = arith.constant 0 : i32
      %swap3A_94 = arith.index_cast %swap3A_93 : i32 to index
      %swap3A_95 = arith.index_cast %scan3A_74 : i32 to index
      %swap3A_96 = arith.constant 32 : index
      %swap3A_97 = tpu.vector_load %arg9[%swap3A_94, %swap3A_95, %swap3A_96] {strides = array<i32>} : memref<2x128x64xf32, #tpu.memory_space<vmem>>, vector<1x1x16xf32>,
      %swap3A_98 = vector.shape_cast %swap3A_97 : vector<1x1x16xf32> to vector<16xf32>
      %swap3A_99 = vector.shape_cast %broadcast_in_dim3A_92 : vector<16xf32> to vector<1x1x16xf32>
      tpu.vector_store %arg9[%swap3A_94, %swap3A_95, %swap3A_96], %swap3A_99 {strides = array<i32>} : memref<2x128x64xf32, #tpu.memory_space<vmem>>, vector<1x1x16xf32>,
      %broadcast_in_dim3A_100 = arith.constant 0.000000e+00 : f32
      %broadcast_in_dim3A_101 = vector.broadcast %broadcast_in_dim3A_100 : f32 to vector<16xf32>
      %swap3A_102 = arith.constant 0 : i32
      %swap3A_103 = arith.index_cast %swap3A_102 : i32 to index
      %swap3A_104 = arith.index_cast %scan3A_74 : i32 to index
      %swap3A_105 = arith.constant 48 : index
      %swap3A_106 = tpu.vector_load %arg9[%swap3A_103, %swap3A_104, %swap3A_105] {strides = array<i32>} : memref<2x128x64xf32, #tpu.memory_space<vmem>>, vector<1x1x16xf32>,
      %swap3A_107 = vector.shape_cast %swap3A_106 : vector<1x1x16xf32> to vector<16xf32>
      %swap3A_108 = vector.shape_cast %broadcast_in_dim3A_101 : vector<16xf32> to vector<1x1x16xf32>
      tpu.vector_store %arg9[%swap3A_103, %swap3A_104, %swap3A_105], %swap3A_108 {strides = array<i32>} : memref<2x128x64xf32, #tpu.memory_space<vmem>>, vector<1x1x16xf32>,
    }
    %scan3A_5 = arith.constant 128 : i32
    %mul3A_6 = arith.constant 640 : i32
    %mul3A_7 = arith.muli %arg1, %mul3A_6 : i32
    %add3A_8 = arith.constant 0 : i32
    %add3A_9 = arith.addi %mul3A_7, %add3A_8 : i32
    %run_scoped3A = arith.constant 0 : i32
    "tpu.region"() ({
      %run_scoped3A_74 = tpu.sem_alloc : memref<!tpu.dma_semaphore, #tpu.memory_space<semaphore_mem>>
      %dma_start3A_75 = arith.constant 0 : i32
      %dma_start3A_76 = arith.constant 0 : i32
      %dma_start3A_77 = tpu.memref_slice %arg9[%run_scoped3A, %dma_start3A_75, %dma_start3A_76] : memref<2x128x64xf32, #tpu.memory_space<vmem>> -> memref<1x128x64xf32, #tpu.memory_space<vmem>>
      %dma_start3A_78 = tpu.memref_squeeze %dma_start3A_77 : memref<1x128x64xf32, #tpu.memory_space<vmem>> -> memref<128x64xf32, #tpu.memory_space<vmem>>
      %dma_start3A_79 = arith.constant 0 : i32
      %dma_start3A_80 = tpu.memref_slice %arg10[%add3A_9, %dma_start3A_79] : memref<10240x64xf32, #tpu.memory_space<vmem_shared>> -> memref<128x64xf32, #tpu.memory_space<vmem_shared>>
      %dma_start3A_81 = arith.constant 0 : i32
      %dma_start3A_82 = tpu.memref_slice %arg10[%add3A_9, %dma_start3A_81] : memref<10240x64xf32, #tpu.memory_space<vmem_shared>> -> memref<128x64xf32, #tpu.memory_space<vmem_shared>>
      %dma_start3A_83 = arith.constant 0 : i32
      %dma_start3A_84 = arith.constant 0 : i32
      %dma_start3A_85 = tpu.memref_slice %arg9[%run_scoped3A, %dma_start3A_83, %dma_start3A_84] : memref<2x128x64xf32, #tpu.memory_space<vmem>> -> memref<1x128x64xf32, #tpu.memory_space<vmem>>
      %dma_start3A_86 = tpu.memref_squeeze %dma_start3A_85 : memref<1x128x64xf32, #tpu.memory_space<vmem>> -> memref<128x64xf32, #tpu.memory_space<vmem>>
      tpu.enqueue_dma source(%dma_start3A_86 : memref<128x64xf32, #tpu.memory_space<vmem>>) target(%dma_start3A_82 : memref<128x64xf32, #tpu.memory_space<vmem_shared>>) target_semaphore(%run_scoped3A_74 : memref<!tpu.dma_semaphore, #tpu.memory_space<semaphore_mem>>)
      %dma_wait3A = arith.constant 0 : i32
      %dma_wait3A_87 = arith.constant 0 : i32
      %dma_wait3A_88 = tpu.memref_slice %arg9[%run_scoped3A, %dma_wait3A, %dma_wait3A_87] : memref<2x128x64xf32, #tpu.memory_space<vmem>> -> memref<1x128x64xf32, #tpu.memory_space<vmem>>
      %dma_wait3A_89 = tpu.memref_squeeze %dma_wait3A_88 : memref<1x128x64xf32, #tpu.memory_space<vmem>> -> memref<128x64xf32, #tpu.memory_space<vmem>>
      %dma_wait3A_90 = arith.constant 0 : i32
      %dma_wait3A_91 = tpu.memref_slice %arg10[%add3A_9, %dma_wait3A_90] : memref<10240x64xf32, #tpu.memory_space<vmem_shared>> -> memref<128x64xf32, #tpu.memory_space<vmem_shared>>
      %dma_wait3A_92 = arith.constant 0 : i32
      %dma_wait3A_93 = tpu.memref_slice %arg10[%add3A_9, %dma_wait3A_92] : memref<10240x64xf32, #tpu.memory_space<vmem_shared>> -> memref<128x64xf32, #tpu.memory_space<vmem_shared>>
      %dma_wait3A_94 = arith.constant 0 : i32
      %dma_wait3A_95 = arith.constant 0 : i32
      %dma_wait3A_96 = tpu.memref_slice %arg9[%run_scoped3A, %dma_wait3A_94, %dma_wait3A_95] : memref<2x128x64xf32, #tpu.memory_space<vmem>> -> memref<1x128x64xf32, #tpu.memory_space<vmem>>
      %dma_wait3A_97 = tpu.memref_squeeze %dma_wait3A_96 : memref<1x128x64xf32, #tpu.memory_space<vmem>> -> memref<128x64xf32, #tpu.memory_space<vmem>>
      tpu.wait_dma2 semaphore(%run_scoped3A_74 : memref<!tpu.dma_semaphore, #tpu.memory_space<semaphore_mem>>) src(%dma_wait3A_97 : memref<128x64xf32, #tpu.memory_space<vmem>>) dst(%dma_wait3A_93 : memref<128x64xf32, #tpu.memory_space<vmem_shared>>)
      tpu.yield
    }) : () -> ()
    %mul3A_10 = arith.constant 640 : i32
    %mul3A_11 = arith.muli %arg1, %mul3A_10 : i32
    %add3A_12 = arith.constant 128 : i32
    %add3A_13 = arith.addi %mul3A_11, %add3A_12 : i32
    %run_scoped3A_14 = arith.constant 0 : i32
    "tpu.region"() ({
      %run_scoped3A_74 = tpu.sem_alloc : memref<!tpu.dma_semaphore, #tpu.memory_space<semaphore_mem>>
      %dma_start3A_75 = arith.constant 0 : i32
      %dma_start3A_76 = arith.constant 0 : i32
      %dma_start3A_77 = tpu.memref_slice %arg9[%run_scoped3A_14, %dma_start3A_75, %dma_start3A_76] : memref<2x128x64xf32, #tpu.memory_space<vmem>> -> memref<1x128x64xf32, #tpu.memory_space<vmem>>
      %dma_start3A_78 = tpu.memref_squeeze %dma_start3A_77 : memref<1x128x64xf32, #tpu.memory_space<vmem>> -> memref<128x64xf32, #tpu.memory_space<vmem>>
      %dma_start3A_79 = arith.constant 0 : i32
      %dma_start3A_80 = tpu.memref_slice %arg10[%add3A_13, %dma_start3A_79] : memref<10240x64xf32, #tpu.memory_space<vmem_shared>> -> memref<128x64xf32, #tpu.memory_space<vmem_shared>>
      %dma_start3A_81 = arith.constant 0 : i32
      %dma_start3A_82 = tpu.memref_slice %arg10[%add3A_13, %dma_start3A_81] : memref<10240x64xf32, #tpu.memory_space<vmem_shared>> -> memref<128x64xf32, #tpu.memory_space<vmem_shared>>
      %dma_start3A_83 = arith.constant 0 : i32
      %dma_start3A_84 = arith.constant 0 : i32
      %dma_start3A_85 = tpu.memref_slice %arg9[%run_scoped3A_14, %dma_start3A_83, %dma_start3A_84] : memref<2x128x64xf32, #tpu.memory_space<vmem>> -> memref<1x128x64xf32, #tpu.memory_space<vmem>>
      %dma_start3A_86 = tpu.memref_squeeze %dma_start3A_85 : memref<1x128x64xf32, #tpu.memory_space<vmem>> -> memref<128x64xf32, #tpu.memory_space<vmem>>
      tpu.enqueue_dma source(%dma_start3A_86 : memref<128x64xf32, #tpu.memory_space<vmem>>) target(%dma_start3A_82 : memref<128x64xf32, #tpu.memory_space<vmem_shared>>) target_semaphore(%run_scoped3A_74 : memref<!tpu.dma_semaphore, #tpu.memory_space<semaphore_mem>>)
      %dma_wait3A = arith.constant 0 : i32
      %dma_wait3A_87 = arith.constant 0 : i32
      %dma_wait3A_88 = tpu.memref_slice %arg9[%run_scoped3A_14, %dma_wait3A, %dma_wait3A_87] : memref<2x128x64xf32, #tpu.memory_space<vmem>> -> memref<1x128x64xf32, #tpu.memory_space<vmem>>
      %dma_wait3A_89 = tpu.memref_squeeze %dma_wait3A_88 : memref<1x128x64xf32, #tpu.memory_space<vmem>> -> memref<128x64xf32, #tpu.memory_space<vmem>>
      %dma_wait3A_90 = arith.constant 0 : i32
      %dma_wait3A_91 = tpu.memref_slice %arg10[%add3A_13, %dma_wait3A_90] : memref<10240x64xf32, #tpu.memory_space<vmem_shared>> -> memref<128x64xf32, #tpu.memory_space<vmem_shared>>
      %dma_wait3A_92 = arith.constant 0 : i32
      %dma_wait3A_93 = tpu.memref_slice %arg10[%add3A_13, %dma_wait3A_92] : memref<10240x64xf32, #tpu.memory_space<vmem_shared>> -> memref<128x64xf32, #tpu.memory_space<vmem_shared>>
      %dma_wait3A_94 = arith.constant 0 : i32
      %dma_wait3A_95 = arith.constant 0 : i32
      %dma_wait3A_96 = tpu.memref_slice %arg9[%run_scoped3A_14, %dma_wait3A_94, %dma_wait3A_95] : memref<2x128x64xf32, #tpu.memory_space<vmem>> -> memref<1x128x64xf32, #tpu.memory_space<vmem>>
      %dma_wait3A_97 = tpu.memref_squeeze %dma_wait3A_96 : memref<1x128x64xf32, #tpu.memory_space<vmem>> -> memref<128x64xf32, #tpu.memory_space<vmem>>
      tpu.wait_dma2 semaphore(%run_scoped3A_74 : memref<!tpu.dma_semaphore, #tpu.memory_space<semaphore_mem>>) src(%dma_wait3A_97 : memref<128x64xf32, #tpu.memory_space<vmem>>) dst(%dma_wait3A_93 : memref<128x64xf32, #tpu.memory_space<vmem_shared>>)
      tpu.yield
    }) : () -> ()
    %mul3A_15 = arith.constant 640 : i32
    %mul3A_16 = arith.muli %arg1, %mul3A_15 : i32
    %add3A_17 = arith.constant 256 : i32
    %add3A_18 = arith.addi %mul3A_16, %add3A_17 : i32
    %run_scoped3A_19 = arith.constant 0 : i32
    "tpu.region"() ({
      %run_scoped3A_74 = tpu.sem_alloc : memref<!tpu.dma_semaphore, #tpu.memory_space<semaphore_mem>>
      %dma_start3A_75 = arith.constant 0 : i32
      %dma_start3A_76 = arith.constant 0 : i32
      %dma_start3A_77 = tpu.memref_slice %arg9[%run_scoped3A_19, %dma_start3A_75, %dma_start3A_76] : memref<2x128x64xf32, #tpu.memory_space<vmem>> -> memref<1x128x64xf32, #tpu.memory_space<vmem>>
      %dma_start3A_78 = tpu.memref_squeeze %dma_start3A_77 : memref<1x128x64xf32, #tpu.memory_space<vmem>> -> memref<128x64xf32, #tpu.memory_space<vmem>>
      %dma_start3A_79 = arith.constant 0 : i32
      %dma_start3A_80 = tpu.memref_slice %arg10[%add3A_18, %dma_start3A_79] : memref<10240x64xf32, #tpu.memory_space<vmem_shared>> -> memref<128x64xf32, #tpu.memory_space<vmem_shared>>
      %dma_start3A_81 = arith.constant 0 : i32
      %dma_start3A_82 = tpu.memref_slice %arg10[%add3A_18, %dma_start3A_81] : memref<10240x64xf32, #tpu.memory_space<vmem_shared>> -> memref<128x64xf32, #tpu.memory_space<vmem_shared>>
      %dma_start3A_83 = arith.constant 0 : i32
      %dma_start3A_84 = arith.constant 0 : i32
      %dma_start3A_85 = tpu.memref_slice %arg9[%run_scoped3A_19, %dma_start3A_83, %dma_start3A_84] : memref<2x128x64xf32, #tpu.memory_space<vmem>> -> memref<1x128x64xf32, #tpu.memory_space<vmem>>
      %dma_start3A_86 = tpu.memref_squeeze %dma_start3A_85 : memref<1x128x64xf32, #tpu.memory_space<vmem>> -> memref<128x64xf32, #tpu.memory_space<vmem>>
      tpu.enqueue_dma source(%dma_start3A_86 : memref<128x64xf32, #tpu.memory_space<vmem>>) target(%dma_start3A_82 : memref<128x64xf32, #tpu.memory_space<vmem_shared>>) target_semaphore(%run_scoped3A_74 : memref<!tpu.dma_semaphore, #tpu.memory_space<semaphore_mem>>)
      %dma_wait3A = arith.constant 0 : i32
      %dma_wait3A_87 = arith.constant 0 : i32
      %dma_wait3A_88 = tpu.memref_slice %arg9[%run_scoped3A_19, %dma_wait3A, %dma_wait3A_87] : memref<2x128x64xf32, #tpu.memory_space<vmem>> -> memref<1x128x64xf32, #tpu.memory_space<vmem>>
      %dma_wait3A_89 = tpu.memref_squeeze %dma_wait3A_88 : memref<1x128x64xf32, #tpu.memory_space<vmem>> -> memref<128x64xf32, #tpu.memory_space<vmem>>
      %dma_wait3A_90 = arith.constant 0 : i32
      %dma_wait3A_91 = tpu.memref_slice %arg10[%add3A_18, %dma_wait3A_90] : memref<10240x64xf32, #tpu.memory_space<vmem_shared>> -> memref<128x64xf32, #tpu.memory_space<vmem_shared>>
      %dma_wait3A_92 = arith.constant 0 : i32
      %dma_wait3A_93 = tpu.memref_slice %arg10[%add3A_18, %dma_wait3A_92] : memref<10240x64xf32, #tpu.memory_space<vmem_shared>> -> memref<128x64xf32, #tpu.memory_space<vmem_shared>>
      %dma_wait3A_94 = arith.constant 0 : i32
      %dma_wait3A_95 = arith.constant 0 : i32
      %dma_wait3A_96 = tpu.memref_slice %arg9[%run_scoped3A_19, %dma_wait3A_94, %dma_wait3A_95] : memref<2x128x64xf32, #tpu.memory_space<vmem>> -> memref<1x128x64xf32, #tpu.memory_space<vmem>>
      %dma_wait3A_97 = tpu.memref_squeeze %dma_wait3A_96 : memref<1x128x64xf32, #tpu.memory_space<vmem>> -> memref<128x64xf32, #tpu.memory_space<vmem>>
      tpu.wait_dma2 semaphore(%run_scoped3A_74 : memref<!tpu.dma_semaphore, #tpu.memory_space<semaphore_mem>>) src(%dma_wait3A_97 : memref<128x64xf32, #tpu.memory_space<vmem>>) dst(%dma_wait3A_93 : memref<128x64xf32, #tpu.memory_space<vmem_shared>>)
      tpu.yield
    }) : () -> ()
    %mul3A_20 = arith.constant 640 : i32
    %mul3A_21 = arith.muli %arg1, %mul3A_20 : i32
    %add3A_22 = arith.constant 384 : i32
    %add3A_23 = arith.addi %mul3A_21, %add3A_22 : i32
    %run_scoped3A_24 = arith.constant 0 : i32
    "tpu.region"() ({
      %run_scoped3A_74 = tpu.sem_alloc : memref<!tpu.dma_semaphore, #tpu.memory_space<semaphore_mem>>
      %dma_start3A_75 = arith.constant 0 : i32
      %dma_start3A_76 = arith.constant 0 : i32
      %dma_start3A_77 = tpu.memref_slice %arg9[%run_scoped3A_24, %dma_start3A_75, %dma_start3A_76] : memref<2x128x64xf32, #tpu.memory_space<vmem>> -> memref<1x128x64xf32, #tpu.memory_space<vmem>>
      %dma_start3A_78 = tpu.memref_squeeze %dma_start3A_77 : memref<1x128x64xf32, #tpu.memory_space<vmem>> -> memref<128x64xf32, #tpu.memory_space<vmem>>
      %dma_start3A_79 = arith.constant 0 : i32
      %dma_start3A_80 = tpu.memref_slice %arg10[%add3A_23, %dma_start3A_79] : memref<10240x64xf32, #tpu.memory_space<vmem_shared>> -> memref<128x64xf32, #tpu.memory_space<vmem_shared>>
      %dma_start3A_81 = arith.constant 0 : i32
      %dma_start3A_82 = tpu.memref_slice %arg10[%add3A_23, %dma_start3A_81] : memref<10240x64xf32, #tpu.memory_space<vmem_shared>> -> memref<128x64xf32, #tpu.memory_space<vmem_shared>>
      %dma_start3A_83 = arith.constant 0 : i32
      %dma_start3A_84 = arith.constant 0 : i32
      %dma_start3A_85 = tpu.memref_slice %arg9[%run_scoped3A_24, %dma_start3A_83, %dma_start3A_84] : memref<2x128x64xf32, #tpu.memory_space<vmem>> -> memref<1x128x64xf32, #tpu.memory_space<vmem>>
      %dma_start3A_86 = tpu.memref_squeeze %dma_start3A_85 : memref<1x128x64xf32, #tpu.memory_space<vmem>> -> memref<128x64xf32, #tpu.memory_space<vmem>>
      tpu.enqueue_dma source(%dma_start3A_86 : memref<128x64xf32, #tpu.memory_space<vmem>>) target(%dma_start3A_82 : memref<128x64xf32, #tpu.memory_space<vmem_shared>>) target_semaphore(%run_scoped3A_74 : memref<!tpu.dma_semaphore, #tpu.memory_space<semaphore_mem>>)
      %dma_wait3A = arith.constant 0 : i32
      %dma_wait3A_87 = arith.constant 0 : i32
      %dma_wait3A_88 = tpu.memref_slice %arg9[%run_scoped3A_24, %dma_wait3A, %dma_wait3A_87] : memref<2x128x64xf32, #tpu.memory_space<vmem>> -> memref<1x128x64xf32, #tpu.memory_space<vmem>>
      %dma_wait3A_89 = tpu.memref_squeeze %dma_wait3A_88 : memref<1x128x64xf32, #tpu.memory_space<vmem>> -> memref<128x64xf32, #tpu.memory_space<vmem>>
      %dma_wait3A_90 = arith.constant 0 : i32
      %dma_wait3A_91 = tpu.memref_slice %arg10[%add3A_23, %dma_wait3A_90] : memref<10240x64xf32, #tpu.memory_space<vmem_shared>> -> memref<128x64xf32, #tpu.memory_space<vmem_shared>>
      %dma_wait3A_92 = arith.constant 0 : i32
      %dma_wait3A_93 = tpu.memref_slice %arg10[%add3A_23, %dma_wait3A_92] : memref<10240x64xf32, #tpu.memory_space<vmem_shared>> -> memref<128x64xf32, #tpu.memory_space<vmem_shared>>
      %dma_wait3A_94 = arith.constant 0 : i32
      %dma_wait3A_95 = arith.constant 0 : i32
      %dma_wait3A_96 = tpu.memref_slice %arg9[%run_scoped3A_24, %dma_wait3A_94, %dma_wait3A_95] : memref<2x128x64xf32, #tpu.memory_space<vmem>> -> memref<1x128x64xf32, #tpu.memory_space<vmem>>
      %dma_wait3A_97 = tpu.memref_squeeze %dma_wait3A_96 : memref<1x128x64xf32, #tpu.memory_space<vmem>> -> memref<128x64xf32, #tpu.memory_space<vmem>>
      tpu.wait_dma2 semaphore(%run_scoped3A_74 : memref<!tpu.dma_semaphore, #tpu.memory_space<semaphore_mem>>) src(%dma_wait3A_97 : memref<128x64xf32, #tpu.memory_space<vmem>>) dst(%dma_wait3A_93 : memref<128x64xf32, #tpu.memory_space<vmem_shared>>)
      tpu.yield
    }) : () -> ()
    %mul3A_25 = arith.constant 640 : i32
    %mul3A_26 = arith.muli %arg1, %mul3A_25 : i32
    %add3A_27 = arith.constant 512 : i32
    %add3A_28 = arith.addi %mul3A_26, %add3A_27 : i32
    %run_scoped3A_29 = arith.constant 0 : i32
    "tpu.region"() ({
      %run_scoped3A_74 = tpu.sem_alloc : memref<!tpu.dma_semaphore, #tpu.memory_space<semaphore_mem>>
      %dma_start3A_75 = arith.constant 0 : i32
      %dma_start3A_76 = arith.constant 0 : i32
      %dma_start3A_77 = tpu.memref_slice %arg9[%run_scoped3A_29, %dma_start3A_75, %dma_start3A_76] : memref<2x128x64xf32, #tpu.memory_space<vmem>> -> memref<1x128x64xf32, #tpu.memory_space<vmem>>
      %dma_start3A_78 = tpu.memref_squeeze %dma_start3A_77 : memref<1x128x64xf32, #tpu.memory_space<vmem>> -> memref<128x64xf32, #tpu.memory_space<vmem>>
      %dma_start3A_79 = arith.constant 0 : i32
      %dma_start3A_80 = tpu.memref_slice %arg10[%add3A_28, %dma_start3A_79] : memref<10240x64xf32, #tpu.memory_space<vmem_shared>> -> memref<128x64xf32, #tpu.memory_space<vmem_shared>>
      %dma_start3A_81 = arith.constant 0 : i32
      %dma_start3A_82 = tpu.memref_slice %arg10[%add3A_28, %dma_start3A_81] : memref<10240x64xf32, #tpu.memory_space<vmem_shared>> -> memref<128x64xf32, #tpu.memory_space<vmem_shared>>
      %dma_start3A_83 = arith.constant 0 : i32
      %dma_start3A_84 = arith.constant 0 : i32
      %dma_start3A_85 = tpu.memref_slice %arg9[%run_scoped3A_29, %dma_start3A_83, %dma_start3A_84] : memref<2x128x64xf32, #tpu.memory_space<vmem>> -> memref<1x128x64xf32, #tpu.memory_space<vmem>>
      %dma_start3A_86 = tpu.memref_squeeze %dma_start3A_85 : memref<1x128x64xf32, #tpu.memory_space<vmem>> -> memref<128x64xf32, #tpu.memory_space<vmem>>
      tpu.enqueue_dma source(%dma_start3A_86 : memref<128x64xf32, #tpu.memory_space<vmem>>) target(%dma_start3A_82 : memref<128x64xf32, #tpu.memory_space<vmem_shared>>) target_semaphore(%run_scoped3A_74 : memref<!tpu.dma_semaphore, #tpu.memory_space<semaphore_mem>>)
      %dma_wait3A = arith.constant 0 : i32
      %dma_wait3A_87 = arith.constant 0 : i32
      %dma_wait3A_88 = tpu.memref_slice %arg9[%run_scoped3A_29, %dma_wait3A, %dma_wait3A_87] : memref<2x128x64xf32, #tpu.memory_space<vmem>> -> memref<1x128x64xf32, #tpu.memory_space<vmem>>
      %dma_wait3A_89 = tpu.memref_squeeze %dma_wait3A_88 : memref<1x128x64xf32, #tpu.memory_space<vmem>> -> memref<128x64xf32, #tpu.memory_space<vmem>>
      %dma_wait3A_90 = arith.constant 0 : i32
      %dma_wait3A_91 = tpu.memref_slice %arg10[%add3A_28, %dma_wait3A_90] : memref<10240x64xf32, #tpu.memory_space<vmem_shared>> -> memref<128x64xf32, #tpu.memory_space<vmem_shared>>
      %dma_wait3A_92 = arith.constant 0 : i32
      %dma_wait3A_93 = tpu.memref_slice %arg10[%add3A_28, %dma_wait3A_92] : memref<10240x64xf32, #tpu.memory_space<vmem_shared>> -> memref<128x64xf32, #tpu.memory_space<vmem_shared>>
      %dma_wait3A_94 = arith.constant 0 : i32
      %dma_wait3A_95 = arith.constant 0 : i32
      %dma_wait3A_96 = tpu.memref_slice %arg9[%run_scoped3A_29, %dma_wait3A_94, %dma_wait3A_95] : memref<2x128x64xf32, #tpu.memory_space<vmem>> -> memref<1x128x64xf32, #tpu.memory_space<vmem>>
      %dma_wait3A_97 = tpu.memref_squeeze %dma_wait3A_96 : memref<1x128x64xf32, #tpu.memory_space<vmem>> -> memref<128x64xf32, #tpu.memory_space<vmem>>
      tpu.wait_dma2 semaphore(%run_scoped3A_74 : memref<!tpu.dma_semaphore, #tpu.memory_space<semaphore_mem>>) src(%dma_wait3A_97 : memref<128x64xf32, #tpu.memory_space<vmem>>) dst(%dma_wait3A_93 : memref<128x64xf32, #tpu.memory_space<vmem_shared>>)
      tpu.yield
    }) : () -> ()
    %mul3A_30 = arith.constant 10496 : i32
    %mul3A_31 = arith.muli %add3A, %mul3A_30 : i32
    "tpu.region"() ({
      %run_scoped3A_74 = tpu.sem_alloc : memref<!tpu.dma_semaphore, #tpu.memory_space<semaphore_mem>>
      %dma_start3A_75 = tpu.memref_slice %arg3[%mul3A_31] : memref<335872xi32, #tpu.memory_space<hbm>> -> memref<10496xi32, #tpu.memory_space<hbm>>
      %dma_start3A_76 = tpu.memref_slice %arg3[%mul3A_31] : memref<335872xi32, #tpu.memory_space<hbm>> -> memref<10496xi32, #tpu.memory_space<hbm>>
      tpu.enqueue_dma source(%dma_start3A_76 : memref<10496xi32, #tpu.memory_space<hbm>>) target(%arg6 : memref<10496xi32, #tpu.memory_space<vmem>>) target_semaphore(%run_scoped3A_74 : memref<!tpu.dma_semaphore, #tpu.memory_space<semaphore_mem>>)
      %dma_wait3A = tpu.memref_slice %arg3[%mul3A_31] : memref<335872xi32, #tpu.memory_space<hbm>> -> memref<10496xi32, #tpu.memory_space<hbm>>
      %dma_wait3A_77 = tpu.memref_slice %arg3[%mul3A_31] : memref<335872xi32, #tpu.memory_space<hbm>> -> memref<10496xi32, #tpu.memory_space<hbm>>
      tpu.wait_dma2 semaphore(%run_scoped3A_74 : memref<!tpu.dma_semaphore, #tpu.memory_space<semaphore_mem>>) src(%dma_wait3A_77 : memref<10496xi32, #tpu.memory_space<hbm>>) dst(%arg6 : memref<10496xi32, #tpu.memory_space<vmem>>)
      tpu.yield
    }) : () -> ()
    %barrier3A = arith.constant 0 : index
    tpu.barrier barrier_id(%barrier3A)
    %mul3A_32 = arith.constant 10496 : i32
    %mul3A_33 = arith.muli %add3A, %mul3A_32 : i32
    %add3A_34 = arith.constant 0 : i32
    %add3A_35 = arith.addi %mul3A_33, %add3A_34 : i32
    %dma_start3A = tpu.memref_slice %arg4[%add3A_35] : memref<335872xi32, #tpu.memory_space<hbm>> -> memref<128xi32, #tpu.memory_space<hbm>>
    %dma_start3A_36 = tpu.memref_slice %arg4[%add3A_35] : memref<335872xi32, #tpu.memory_space<hbm>> -> memref<128xi32, #tpu.memory_space<hbm>>
    tpu.enqueue_dma source(%dma_start3A_36 : memref<128xi32, #tpu.memory_space<hbm>>) target(%arg7 : memref<128xi32, #tpu.memory_space<vmem>>) target_semaphore(%arg13 : memref<!tpu.dma_semaphore, #tpu.memory_space<semaphore_mem>>)
    %dma_start3A_37 = arith.constant 0 : i32
    %dma_start3A_38 = arith.constant 0 : i32
    %dma_start3A_39 = arith.constant 0 : i32
    %dma_start3A_40 = tpu.memref_slice %arg9[%dma_start3A_37, %dma_start3A_38, %dma_start3A_39] : memref<2x128x64xf32, #tpu.memory_space<vmem>> -> memref<1x128x64xf32, #tpu.memory_space<vmem>>
    %dma_start3A_41 = tpu.memref_squeeze %dma_start3A_40 : memref<1x128x64xf32, #tpu.memory_space<vmem>> -> memref<128x64xf32, #tpu.memory_space<vmem>>
    %dma_start3A_42 = arith.constant 0 : i32
    %dma_start3A_43 = tpu.memref_slice %arg6[%dma_start3A_42] : memref<10496xi32, #tpu.memory_space<vmem>> -> memref<128xi32, #tpu.memory_space<vmem>>
    %dma_start3A_44 = arith.constant 0 : i32
    %dma_start3A_45 = arith.constant 0 : i32
    %dma_start3A_46 = tpu.memref_slice %arg2[%dma_start3A_44, %dma_start3A_45] : memref<10240x64xf32, #tpu.memory_space<hbm>> -> memref<10240x64xf32, #tpu.memory_space<hbm>>
    tpu.enqueue_indirect_dma source(%dma_start3A_46 : memref<10240x64xf32, #tpu.memory_space<hbm>>) target(%dma_start3A_41 : memref<128x64xf32, #tpu.memory_space<vmem>>) offsets(%dma_start3A_43 : memref<128xi32, #tpu.memory_space<vmem>>) semaphore(%arg11 : memref<!tpu.dma_semaphore, #tpu.memory_space<semaphore_mem>>)
    %mul3A_47 = arith.constant 10496 : i32
    %mul3A_48 = arith.muli %add3A, %mul3A_47 : i32
    %add3A_49 = arith.constant 128 : i32
    %add3A_50 = arith.addi %mul3A_48, %add3A_49 : i32
    %dma_start3A_51 = tpu.memref_slice %arg4[%add3A_50] : memref<335872xi32, #tpu.memory_space<hbm>> -> memref<128xi32, #tpu.memory_space<hbm>>
    %dma_start3A_52 = tpu.memref_slice %arg4[%add3A_50] : memref<335872xi32, #tpu.memory_space<hbm>> -> memref<128xi32, #tpu.memory_space<hbm>>
    tpu.enqueue_dma source(%dma_start3A_52 : memref<128xi32, #tpu.memory_space<hbm>>) target(%arg8 : memref<128xi32, #tpu.memory_space<vmem>>) target_semaphore(%arg14 : memref<!tpu.dma_semaphore, #tpu.memory_space<semaphore_mem>>)
    %dma_start3A_53 = arith.constant 1 : i32
    %dma_start3A_54 = arith.constant 0 : i32
    %dma_start3A_55 = arith.constant 0 : i32
    %dma_start3A_56 = tpu.memref_slice %arg9[%dma_start3A_53, %dma_start3A_54, %dma_start3A_55] : memref<2x128x64xf32, #tpu.memory_space<vmem>> -> memref<1x128x64xf32, #tpu.memory_space<vmem>>
    %dma_start3A_57 = tpu.memref_squeeze %dma_start3A_56 : memref<1x128x64xf32, #tpu.memory_space<vmem>> -> memref<128x64xf32, #tpu.memory_space<vmem>>
    %dma_start3A_58 = arith.constant 128 : i32
    %dma_start3A_59 = tpu.memref_slice %arg6[%dma_start3A_58] : memref<10496xi32, #tpu.memory_space<vmem>> -> memref<128xi32, #tpu.memory_space<vmem>>
    %dma_start3A_60 = arith.constant 0 : i32
    %dma_start3A_61 = arith.constant 0 : i32
    %dma_start3A_62 = tpu.memref_slice %arg2[%dma_start3A_60, %dma_start3A_61] : memref<10240x64xf32, #tpu.memory_space<hbm>> -> memref<10240x64xf32, #tpu.memory_space<hbm>>
    tpu.enqueue_indirect_dma source(%dma_start3A_62 : memref<10240x64xf32, #tpu.memory_space<hbm>>) target(%dma_start3A_57 : memref<128x64xf32, #tpu.memory_space<vmem>>) offsets(%dma_start3A_59 : memref<128xi32, #tpu.memory_space<vmem>>) semaphore(%arg12 : memref<!tpu.dma_semaphore, #tpu.memory_space<semaphore_mem>>)
    %scan3A_63 = arith.constant 0 : i32
    %scan3A_64 = arith.constant 0 : i32
    %scan3A_65 = arith.constant 41 : i32
    %scan3A_66 = arith.addi %scan3A_64, %scan3A_65 : i32
    %scan3A_67 = arith.constant 1 : i32
    scf.for %scan3A_74 = %scan3A_64 to %scan3A_66 step %scan3A_67  : i32 {
      %mul3A_75 = arith.constant 2 : i32
      %mul3A_76 = arith.muli %scan3A_74, %mul3A_75 : i32
      %add3A_77 = arith.constant 0 : i32
      %add3A_78 = arith.addi %mul3A_76, %add3A_77 : i32
      %mul3A_79 = arith.constant 10496 : i32
      %mul3A_80 = arith.muli %add3A, %mul3A_79 : i32
      %mul3A_81 = arith.constant 128 : i32
      %mul3A_82 = arith.muli %add3A_78, %mul3A_81 : i32
      %add3A_83 = arith.addi %mul3A_80, %mul3A_82 : i32
      %dma_wait3A = tpu.memref_slice %arg4[%add3A_83] : memref<335872xi32, #tpu.memory_space<hbm>> -> memref<128xi32, #tpu.memory_space<hbm>>
      %dma_wait3A_84 = tpu.memref_slice %arg4[%add3A_83] : memref<335872xi32, #tpu.memory_space<hbm>> -> memref<128xi32, #tpu.memory_space<hbm>>
      tpu.wait_dma2 semaphore(%arg13 : memref<!tpu.dma_semaphore, #tpu.memory_space<semaphore_mem>>) src(%dma_wait3A_84 : memref<128xi32, #tpu.memory_space<hbm>>) dst(%arg7 : memref<128xi32, #tpu.memory_space<vmem>>)
      %mul3A_85 = arith.constant 128 : i32
      %mul3A_86 = arith.muli %add3A_78, %mul3A_85 : i32
      %dma_wait3A_87 = arith.constant 0 : i32
      %dma_wait3A_88 = arith.constant 0 : i32
      %dma_wait3A_89 = arith.constant 0 : i32
      %dma_wait3A_90 = tpu.memref_slice %arg9[%dma_wait3A_87, %dma_wait3A_88, %dma_wait3A_89] : memref<2x128x64xf32, #tpu.memory_space<vmem>> -> memref<1x128x64xf32, #tpu.memory_space<vmem>>
      %dma_wait3A_91 = tpu.memref_squeeze %dma_wait3A_90 : memref<1x128x64xf32, #tpu.memory_space<vmem>> -> memref<128x64xf32, #tpu.memory_space<vmem>>
      %dma_wait3A_92 = tpu.memref_slice %arg6[%mul3A_86] : memref<10496xi32, #tpu.memory_space<vmem>> -> memref<128xi32, #tpu.memory_space<vmem>>
      %dma_wait3A_93 = arith.constant 0 : i32
      %dma_wait3A_94 = arith.constant 0 : i32
      %dma_wait3A_95 = tpu.memref_slice %arg2[%dma_wait3A_93, %dma_wait3A_94] : memref<10240x64xf32, #tpu.memory_space<hbm>> -> memref<10240x64xf32, #tpu.memory_space<hbm>>
      tpu.wait_indirect_dma semaphore(%arg11 : memref<!tpu.dma_semaphore, #tpu.memory_space<semaphore_mem>>) src(%dma_wait3A_95 : memref<10240x64xf32, #tpu.memory_space<hbm>>) dst(%dma_wait3A_91 : memref<128x64xf32, #tpu.memory_space<vmem>>)
      %run_scoped3A_96 = arith.constant 0 : i32
      "tpu.region"() ({
        %run_scoped3A_127 = tpu.sem_alloc : memref<!tpu.dma_semaphore, #tpu.memory_space<semaphore_mem>>
        %dma_start3A_128 = arith.constant 0 : i32
        %dma_start3A_129 = arith.constant 0 : i32
        %dma_start3A_130 = tpu.memref_slice %arg9[%run_scoped3A_96, %dma_start3A_128, %dma_start3A_129] : memref<2x128x64xf32, #tpu.memory_space<vmem>> -> memref<1x128x64xf32, #tpu.memory_space<vmem>>
        %dma_start3A_131 = tpu.memref_squeeze %dma_start3A_130 : memref<1x128x64xf32, #tpu.memory_space<vmem>> -> memref<128x64xf32, #tpu.memory_space<vmem>>
        %dma_start3A_132 = arith.constant 0 : i32
        %dma_start3A_133 = arith.constant 0 : i32
        %dma_start3A_134 = tpu.memref_slice %arg10[%dma_start3A_132, %dma_start3A_133] : memref<10240x64xf32, #tpu.memory_space<vmem_shared>> -> memref<10240x64xf32, #tpu.memory_space<vmem_shared>>
        tpu.enqueue_indirect_dma source(%dma_start3A_131 : memref<128x64xf32, #tpu.memory_space<vmem>>) target(%dma_start3A_134 : memref<10240x64xf32, #tpu.memory_space<vmem_shared>>) offsets(%arg7 : memref<128xi32, #tpu.memory_space<vmem>>) semaphore(%run_scoped3A_127 : memref<!tpu.dma_semaphore, #tpu.memory_space<semaphore_mem>>) {add = true}
        %dma_wait3A_135 = arith.constant 0 : i32
        %dma_wait3A_136 = arith.constant 0 : i32
        %dma_wait3A_137 = tpu.memref_slice %arg9[%run_scoped3A_96, %dma_wait3A_135, %dma_wait3A_136] : memref<2x128x64xf32, #tpu.memory_space<vmem>> -> memref<1x128x64xf32, #tpu.memory_space<vmem>>
        %dma_wait3A_138 = tpu.memref_squeeze %dma_wait3A_137 : memref<1x128x64xf32, #tpu.memory_space<vmem>> -> memref<128x64xf32, #tpu.memory_space<vmem>>
        %dma_wait3A_139 = arith.constant 0 : i32
        %dma_wait3A_140 = arith.constant 0 : i32
        %dma_wait3A_141 = tpu.memref_slice %arg10[%dma_wait3A_139, %dma_wait3A_140] : memref<10240x64xf32, #tpu.memory_space<vmem_shared>> -> memref<10240x64xf32, #tpu.memory_space<vmem_shared>>
        tpu.wait_indirect_dma semaphore(%run_scoped3A_127 : memref<!tpu.dma_semaphore, #tpu.memory_space<semaphore_mem>>) src(%dma_wait3A_138 : memref<128x64xf32, #tpu.memory_space<vmem>>) dst(%dma_wait3A_141 : memref<10240x64xf32, #tpu.memory_space<vmem_shared>>)
        tpu.yield
      }) : () -> ()
      %lt3A = arith.constant 40 : i32
      %lt3A_97 = arith.cmpi slt, %scan3A_74, %lt3A : i32
      %convert_element_type3A = arith.extui %lt3A_97 : i1 to i32
      %cond3A = arith.constant 0 : i32
      %cond3A_98 = arith.cmpi ne, %convert_element_type3A, %cond3A : i32
      scf.if %cond3A_98 {
        %mul3A_127 = arith.constant 10496 : i32
        %mul3A_128 = arith.muli %add3A, %mul3A_127 : i32
        %add3A_129 = arith.constant 2 : i32
        %add3A_130 = arith.addi %add3A_78, %add3A_129 : i32
        %mul3A_131 = arith.constant 128 : i32
        %mul3A_132 = arith.muli %add3A_130, %mul3A_131 : i32
        %add3A_133 = arith.addi %mul3A_128, %mul3A_132 : i32
        %dma_start3A_134 = tpu.memref_slice %arg4[%add3A_133] : memref<335872xi32, #tpu.memory_space<hbm>> -> memref<128xi32, #tpu.memory_space<hbm>>
        %dma_start3A_135 = tpu.memref_slice %arg4[%add3A_133] : memref<335872xi32, #tpu.memory_space<hbm>> -> memref<128xi32, #tpu.memory_space<hbm>>
        tpu.enqueue_dma source(%dma_start3A_135 : memref<128xi32, #tpu.memory_space<hbm>>) target(%arg7 : memref<128xi32, #tpu.memory_space<vmem>>) target_semaphore(%arg13 : memref<!tpu.dma_semaphore, #tpu.memory_space<semaphore_mem>>)
        %add3A_136 = arith.constant 2 : i32
        %add3A_137 = arith.addi %add3A_78, %add3A_136 : i32
        %mul3A_138 = arith.constant 128 : i32
        %mul3A_139 = arith.muli %add3A_137, %mul3A_138 : i32
        %dma_start3A_140 = arith.constant 0 : i32
        %dma_start3A_141 = arith.constant 0 : i32
        %dma_start3A_142 = arith.constant 0 : i32
        %dma_start3A_143 = tpu.memref_slice %arg9[%dma_start3A_140, %dma_start3A_141, %dma_start3A_142] : memref<2x128x64xf32, #tpu.memory_space<vmem>> -> memref<1x128x64xf32, #tpu.memory_space<vmem>>
        %dma_start3A_144 = tpu.memref_squeeze %dma_start3A_143 : memref<1x128x64xf32, #tpu.memory_space<vmem>> -> memref<128x64xf32, #tpu.memory_space<vmem>>
        %dma_start3A_145 = tpu.memref_slice %arg6[%mul3A_139] : memref<10496xi32, #tpu.memory_space<vmem>> -> memref<128xi32, #tpu.memory_space<vmem>>
        %dma_start3A_146 = arith.constant 0 : i32
        %dma_start3A_147 = arith.constant 0 : i32
        %dma_start3A_148 = tpu.memref_slice %arg2[%dma_start3A_146, %dma_start3A_147] : memref<10240x64xf32, #tpu.memory_space<hbm>> -> memref<10240x64xf32, #tpu.memory_space<hbm>>
        tpu.enqueue_indirect_dma source(%dma_start3A_148 : memref<10240x64xf32, #tpu.memory_space<hbm>>) target(%dma_start3A_144 : memref<128x64xf32, #tpu.memory_space<vmem>>) offsets(%dma_start3A_145 : memref<128xi32, #tpu.memory_space<vmem>>) semaphore(%arg11 : memref<!tpu.dma_semaphore, #tpu.memory_space<semaphore_mem>>)
      } else {
      }
      %mul3A_99 = arith.constant 2 : i32
      %mul3A_100 = arith.muli %scan3A_74, %mul3A_99 : i32
      %add3A_101 = arith.constant 1 : i32
      %add3A_102 = arith.addi %mul3A_100, %add3A_101 : i32
      %mul3A_103 = arith.constant 10496 : i32
      %mul3A_104 = arith.muli %add3A, %mul3A_103 : i32
      %mul3A_105 = arith.constant 128 : i32
      %mul3A_106 = arith.muli %add3A_102, %mul3A_105 : i32
      %add3A_107 = arith.addi %mul3A_104, %mul3A_106 : i32
      %dma_wait3A_108 = tpu.memref_slice %arg4[%add3A_107] : memref<335872xi32, #tpu.memory_space<hbm>> -> memref<128xi32, #tpu.memory_space<hbm>>
      %dma_wait3A_109 = tpu.memref_slice %arg4[%add3A_107] : memref<335872xi32, #tpu.memory_space<hbm>> -> memref<128xi32, #tpu.memory_space<hbm>>
      tpu.wait_dma2 semaphore(%arg14 : memref<!tpu.dma_semaphore, #tpu.memory_space<semaphore_mem>>) src(%dma_wait3A_109 : memref<128xi32, #tpu.memory_space<hbm>>) dst(%arg8 : memref<128xi32, #tpu.memory_space<vmem>>)
      %mul3A_110 = arith.constant 128 : i32
      %mul3A_111 = arith.muli %add3A_102, %mul3A_110 : i32
      %dma_wait3A_112 = arith.constant 1 : i32
      %dma_wait3A_113 = arith.constant 0 : i32
      %dma_wait3A_114 = arith.constant 0 : i32
      %dma_wait3A_115 = tpu.memref_slice %arg9[%dma_wait3A_112, %dma_wait3A_113, %dma_wait3A_114] : memref<2x128x64xf32, #tpu.memory_space<vmem>> -> memref<1x128x64xf32, #tpu.memory_space<vmem>>
      %dma_wait3A_116 = tpu.memref_squeeze %dma_wait3A_115 : memref<1x128x64xf32, #tpu.memory_space<vmem>> -> memref<128x64xf32, #tpu.memory_space<vmem>>
      %dma_wait3A_117 = tpu.memref_slice %arg6[%mul3A_111] : memref<10496xi32, #tpu.memory_space<vmem>> -> memref<128xi32, #tpu.memory_space<vmem>>
      %dma_wait3A_118 = arith.constant 0 : i32
      %dma_wait3A_119 = arith.constant 0 : i32
      %dma_wait3A_120 = tpu.memref_slice %arg2[%dma_wait3A_118, %dma_wait3A_119] : memref<10240x64xf32, #tpu.memory_space<hbm>> -> memref<10240x64xf32, #tpu.memory_space<hbm>>
      tpu.wait_indirect_dma semaphore(%arg12 : memref<!tpu.dma_semaphore, #tpu.memory_space<semaphore_mem>>) src(%dma_wait3A_120 : memref<10240x64xf32, #tpu.memory_space<hbm>>) dst(%dma_wait3A_116 : memref<128x64xf32, #tpu.memory_space<vmem>>)
      %run_scoped3A_121 = arith.constant 1 : i32
      "tpu.region"() ({
        %run_scoped3A_127 = tpu.sem_alloc : memref<!tpu.dma_semaphore, #tpu.memory_space<semaphore_mem>>
        %dma_start3A_128 = arith.constant 0 : i32
        %dma_start3A_129 = arith.constant 0 : i32
        %dma_start3A_130 = tpu.memref_slice %arg9[%run_scoped3A_121, %dma_start3A_128, %dma_start3A_129] : memref<2x128x64xf32, #tpu.memory_space<vmem>> -> memref<1x128x64xf32, #tpu.memory_space<vmem>>
        %dma_start3A_131 = tpu.memref_squeeze %dma_start3A_130 : memref<1x128x64xf32, #tpu.memory_space<vmem>> -> memref<128x64xf32, #tpu.memory_space<vmem>>
        %dma_start3A_132 = arith.constant 0 : i32
        %dma_start3A_133 = arith.constant 0 : i32
        %dma_start3A_134 = tpu.memref_slice %arg10[%dma_start3A_132, %dma_start3A_133] : memref<10240x64xf32, #tpu.memory_space<vmem_shared>> -> memref<10240x64xf32, #tpu.memory_space<vmem_shared>>
        tpu.enqueue_indirect_dma source(%dma_start3A_131 : memref<128x64xf32, #tpu.memory_space<vmem>>) target(%dma_start3A_134 : memref<10240x64xf32, #tpu.memory_space<vmem_shared>>) offsets(%arg8 : memref<128xi32, #tpu.memory_space<vmem>>) semaphore(%run_scoped3A_127 : memref<!tpu.dma_semaphore, #tpu.memory_space<semaphore_mem>>) {add = true}
        %dma_wait3A_135 = arith.constant 0 : i32
        %dma_wait3A_136 = arith.constant 0 : i32
        %dma_wait3A_137 = tpu.memref_slice %arg9[%run_scoped3A_121, %dma_wait3A_135, %dma_wait3A_136] : memref<2x128x64xf32, #tpu.memory_space<vmem>> -> memref<1x128x64xf32, #tpu.memory_space<vmem>>
        %dma_wait3A_138 = tpu.memref_squeeze %dma_wait3A_137 : memref<1x128x64xf32, #tpu.memory_space<vmem>> -> memref<128x64xf32, #tpu.memory_space<vmem>>
        %dma_wait3A_139 = arith.constant 0 : i32
        %dma_wait3A_140 = arith.constant 0 : i32
        %dma_wait3A_141 = tpu.memref_slice %arg10[%dma_wait3A_139, %dma_wait3A_140] : memref<10240x64xf32, #tpu.memory_space<vmem_shared>> -> memref<10240x64xf32, #tpu.memory_space<vmem_shared>>
        tpu.wait_indirect_dma semaphore(%run_scoped3A_127 : memref<!tpu.dma_semaphore, #tpu.memory_space<semaphore_mem>>) src(%dma_wait3A_138 : memref<128x64xf32, #tpu.memory_space<vmem>>) dst(%dma_wait3A_141 : memref<10240x64xf32, #tpu.memory_space<vmem_shared>>)
        tpu.yield
      }) : () -> ()
      %lt3A_122 = arith.constant 40 : i32
      %lt3A_123 = arith.cmpi slt, %scan3A_74, %lt3A_122 : i32
      %convert_element_type3A_124 = arith.extui %lt3A_123 : i1 to i32
      %cond3A_125 = arith.constant 0 : i32
      %cond3A_126 = arith.cmpi ne, %convert_element_type3A_124, %cond3A_125 : i32
      scf.if %cond3A_126 {
        %mul3A_127 = arith.constant 10496 : i32
        %mul3A_128 = arith.muli %add3A, %mul3A_127 : i32
        %add3A_129 = arith.constant 2 : i32
        %add3A_130 = arith.addi %add3A_102, %add3A_129 : i32
        %mul3A_131 = arith.constant 128 : i32
        %mul3A_132 = arith.muli %add3A_130, %mul3A_131 : i32
        %add3A_133 = arith.addi %mul3A_128, %mul3A_132 : i32
        %dma_start3A_134 = tpu.memref_slice %arg4[%add3A_133] : memref<335872xi32, #tpu.memory_space<hbm>> -> memref<128xi32, #tpu.memory_space<hbm>>
        %dma_start3A_135 = tpu.memref_slice %arg4[%add3A_133] : memref<335872xi32, #tpu.memory_space<hbm>> -> memref<128xi32, #tpu.memory_space<hbm>>
        tpu.enqueue_dma source(%dma_start3A_135 : memref<128xi32, #tpu.memory_space<hbm>>) target(%arg8 : memref<128xi32, #tpu.memory_space<vmem>>) target_semaphore(%arg14 : memref<!tpu.dma_semaphore, #tpu.memory_space<semaphore_mem>>)
        %add3A_136 = arith.constant 2 : i32
        %add3A_137 = arith.addi %add3A_102, %add3A_136 : i32
        %mul3A_138 = arith.constant 128 : i32
        %mul3A_139 = arith.muli %add3A_137, %mul3A_138 : i32
        %dma_start3A_140 = arith.constant 1 : i32
        %dma_start3A_141 = arith.constant 0 : i32
        %dma_start3A_142 = arith.constant 0 : i32
        %dma_start3A_143 = tpu.memref_slice %arg9[%dma_start3A_140, %dma_start3A_141, %dma_start3A_142] : memref<2x128x64xf32, #tpu.memory_space<vmem>> -> memref<1x128x64xf32, #tpu.memory_space<vmem>>
        %dma_start3A_144 = tpu.memref_squeeze %dma_start3A_143 : memref<1x128x64xf32, #tpu.memory_space<vmem>> -> memref<128x64xf32, #tpu.memory_space<vmem>>
        %dma_start3A_145 = tpu.memref_slice %arg6[%mul3A_139] : memref<10496xi32, #tpu.memory_space<vmem>> -> memref<128xi32, #tpu.memory_space<vmem>>
        %dma_start3A_146 = arith.constant 0 : i32
        %dma_start3A_147 = arith.constant 0 : i32
        %dma_start3A_148 = tpu.memref_slice %arg2[%dma_start3A_146, %dma_start3A_147] : memref<10240x64xf32, #tpu.memory_space<hbm>> -> memref<10240x64xf32, #tpu.memory_space<hbm>>
        tpu.enqueue_indirect_dma source(%dma_start3A_148 : memref<10240x64xf32, #tpu.memory_space<hbm>>) target(%dma_start3A_144 : memref<128x64xf32, #tpu.memory_space<vmem>>) offsets(%dma_start3A_145 : memref<128xi32, #tpu.memory_space<vmem>>) semaphore(%arg12 : memref<!tpu.dma_semaphore, #tpu.memory_space<semaphore_mem>>)
      } else {
      }
    }
    %scan3A_68 = arith.constant 41 : i32
    %barrier3A_69 = arith.constant 0 : index
    tpu.barrier barrier_id(%barrier3A_69)
    %mul3A_70 = arith.constant 640 : i32
    %mul3A_71 = arith.muli %arg1, %mul3A_70 : i32
    %mul3A_72 = arith.constant 640 : i32
    %mul3A_73 = arith.muli %arg1, %mul3A_72 : i32
    "tpu.region"() ({
      %run_scoped3A_74 = tpu.sem_alloc : memref<!tpu.dma_semaphore, #tpu.memory_space<semaphore_mem>>
      %dma_start3A_75 = arith.constant 0 : i32
      %dma_start3A_76 = tpu.memref_slice %arg5[%arg0, %mul3A_73, %dma_start3A_75] : memref<2x10240x64xf32, #tpu.memory_space<hbm>> -> memref<1x640x64xf32, #tpu.memory_space<hbm>>
      %dma_start3A_77 = tpu.memref_squeeze %dma_start3A_76 : memref<1x640x64xf32, #tpu.memory_space<hbm>> -> memref<640x64xf32, #tpu.memory_space<hbm>>
      %dma_start3A_78 = arith.constant 0 : i32
      %dma_start3A_79 = tpu.memref_slice %arg10[%mul3A_71, %dma_start3A_78] : memref<10240x64xf32, #tpu.memory_space<vmem_shared>> -> memref<640x64xf32, #tpu.memory_space<vmem_shared>>
      tpu.enqueue_dma source(%dma_start3A_79 : memref<640x64xf32, #tpu.memory_space<vmem_shared>>) target(%dma_start3A_77 : memref<640x64xf32, #tpu.memory_space<hbm>>) target_semaphore(%run_scoped3A_74 : memref<!tpu.dma_semaphore, #tpu.memory_space<semaphore_mem>>)
      %dma_wait3A = arith.constant 0 : i32
      %dma_wait3A_80 = tpu.memref_slice %arg5[%arg0, %mul3A_73, %dma_wait3A] : memref<2x10240x64xf32, #tpu.memory_space<hbm>> -> memref<1x640x64xf32, #tpu.memory_space<hbm>>
      %dma_wait3A_81 = tpu.memref_squeeze %dma_wait3A_80 : memref<1x640x64xf32, #tpu.memory_space<hbm>> -> memref<640x64xf32, #tpu.memory_space<hbm>>
      %dma_wait3A_82 = arith.constant 0 : i32
      %dma_wait3A_83 = tpu.memref_slice %arg10[%mul3A_71, %dma_wait3A_82] : memref<10240x64xf32, #tpu.memory_space<vmem_shared>> -> memref<640x64xf32, #tpu.memory_space<vmem_shared>>
      tpu.wait_dma2 semaphore(%run_scoped3A_74 : memref<!tpu.dma_semaphore, #tpu.memory_space<semaphore_mem>>) src(%dma_wait3A_83 : memref<640x64xf32, #tpu.memory_space<vmem_shared>>) dst(%dma_wait3A_81 : memref<640x64xf32, #tpu.memory_space<hbm>>)
      tpu.yield
    }) : () -> ()
    return
  }
}

#map = affine_map<(d0, d1) -> (0)>
#map1 = affine_map<(d0, d1) -> (0, 0)>
module attributes {stable_mosaic.version = 14 : i64} {
  func.func @_deg_body(%arg0: i32, %arg1: i32, %arg2: memref<335872xi32, #tpu.memory_space<hbm>>, %arg3: memref<32x10240xf32, #tpu.memory_space<hbm>>, %arg4: memref<10496xi32, #tpu.memory_space<vmem>>, %arg5: memref<10240xf32, #tpu.memory_space<vmem>>) attributes {dimension_semantics = [#tpu.dimension_semantics<core_parallel>, #tpu.dimension_semantics<subcore_parallel>], iteration_bounds = array<i64: 2, 16>, scalar_prefetch = 0 : i64, scratch_operands = 2 : i64, tpu.core_type = #tpu.core_type<sc_vector_subcore>, window_params = [{transform_indices = #map}, {transform_indices = #map1}]} {
    %mul3A = arith.constant 16 : i32
    %mul3A_0 = arith.muli %arg0, %mul3A : i32
    %add3A = arith.addi %mul3A_0, %arg1 : i32
    %scan3A = arith.constant 0 : i32
    %scan3A_1 = arith.constant 0 : i32
    %scan3A_2 = arith.constant 640 : i32
    %scan3A_3 = arith.addi %scan3A_1, %scan3A_2 : i32
    %scan3A_4 = arith.constant 1 : i32
    scf.for %scan3A_14 = %scan3A_1 to %scan3A_3 step %scan3A_4  : i32 {
      %broadcast_in_dim3A = arith.constant 0.000000e+00 : f32
      %broadcast_in_dim3A_15 = vector.broadcast %broadcast_in_dim3A : f32 to vector<16xf32>
      %mul3A_16 = arith.constant 16 : i32
      %mul3A_17 = arith.muli %scan3A_14, %mul3A_16 : i32
      %swap3A = arith.index_cast %mul3A_17 : i32 to index
      %swap3A_18 = tpu.vector_load %arg5[%swap3A] {strides = array<i32>} : memref<10240xf32, #tpu.memory_space<vmem>>, vector<16xf32>,
      tpu.vector_store %arg5[%swap3A], %broadcast_in_dim3A_15 {strides = array<i32>} : memref<10240xf32, #tpu.memory_space<vmem>>, vector<16xf32>,
    }
    %scan3A_5 = arith.constant 640 : i32
    %mul3A_6 = arith.constant 10496 : i32
    %mul3A_7 = arith.muli %add3A, %mul3A_6 : i32
    "tpu.region"() ({
      %run_scoped3A = tpu.sem_alloc : memref<!tpu.dma_semaphore, #tpu.memory_space<semaphore_mem>>
      %dma_start3A = tpu.memref_slice %arg2[%mul3A_7] : memref<335872xi32, #tpu.memory_space<hbm>> -> memref<10496xi32, #tpu.memory_space<hbm>>
      %dma_start3A_14 = tpu.memref_slice %arg2[%mul3A_7] : memref<335872xi32, #tpu.memory_space<hbm>> -> memref<10496xi32, #tpu.memory_space<hbm>>
      tpu.enqueue_dma source(%dma_start3A_14 : memref<10496xi32, #tpu.memory_space<hbm>>) target(%arg4 : memref<10496xi32, #tpu.memory_space<vmem>>) target_semaphore(%run_scoped3A : memref<!tpu.dma_semaphore, #tpu.memory_space<semaphore_mem>>)
      %dma_wait3A = tpu.memref_slice %arg2[%mul3A_7] : memref<335872xi32, #tpu.memory_space<hbm>> -> memref<10496xi32, #tpu.memory_space<hbm>>
      %dma_wait3A_15 = tpu.memref_slice %arg2[%mul3A_7] : memref<335872xi32, #tpu.memory_space<hbm>> -> memref<10496xi32, #tpu.memory_space<hbm>>
      tpu.wait_dma2 semaphore(%run_scoped3A : memref<!tpu.dma_semaphore, #tpu.memory_space<semaphore_mem>>) src(%dma_wait3A_15 : memref<10496xi32, #tpu.memory_space<hbm>>) dst(%arg4 : memref<10496xi32, #tpu.memory_space<vmem>>)
      tpu.yield
    }) : () -> ()
    %scan3A_8 = arith.constant 0 : i32
    %scan3A_9 = arith.constant 0 : i32
    %scan3A_10 = arith.constant 656 : i32
    %scan3A_11 = arith.addi %scan3A_9, %scan3A_10 : i32
    %scan3A_12 = arith.constant 1 : i32
    scf.for %scan3A_14 = %scan3A_9 to %scan3A_11 step %scan3A_12  : i32 {
      %mul3A_15 = arith.constant 16 : i32
      %mul3A_16 = arith.muli %scan3A_14, %mul3A_15 : i32
      %get3A = arith.index_cast %mul3A_16 : i32 to index
      %get3A_17 = tpu.vector_load %arg4[%get3A] {strides = array<i32>} : memref<10496xi32, #tpu.memory_space<vmem>>, vector<16xi32>,
      %broadcast_in_dim3A = arith.constant true
      %broadcast_in_dim3A_18 = vector.broadcast %broadcast_in_dim3A : i1 to vector<16xi1>
      %unique3A, %unique3A_19 = tpu.scan_count mask(%broadcast_in_dim3A_18 : vector<16xi1>) value(%get3A_17 : vector<16xi32>) : vector<16xi1>, vector<16xi32>
      %convert_element_type3A = arith.sitofp %unique3A_19 : vector<16xi32> to vector<16xf32>
      tpu.vector_store_idx %arg5[%get3A_17], %convert_element_type3A masked %unique3A {add = true} : memref<10240xf32, #tpu.memory_space<vmem>>[vector<16xi32>], vector<16xf32>, vector<16xi1>
    }
    %scan3A_13 = arith.constant 656 : i32
    "tpu.region"() ({
      %run_scoped3A = tpu.sem_alloc : memref<!tpu.dma_semaphore, #tpu.memory_space<semaphore_mem>>
      %dma_start3A = arith.constant 0 : i32
      %dma_start3A_14 = tpu.memref_slice %arg3[%add3A, %dma_start3A] : memref<32x10240xf32, #tpu.memory_space<hbm>> -> memref<1x10240xf32, #tpu.memory_space<hbm>>
      %dma_start3A_15 = tpu.memref_squeeze %dma_start3A_14 : memref<1x10240xf32, #tpu.memory_space<hbm>> -> memref<10240xf32, #tpu.memory_space<hbm>>
      %dma_start3A_16 = arith.constant 0 : i32
      %dma_start3A_17 = tpu.memref_slice %arg3[%add3A, %dma_start3A_16] : memref<32x10240xf32, #tpu.memory_space<hbm>> -> memref<1x10240xf32, #tpu.memory_space<hbm>>
      %dma_start3A_18 = tpu.memref_squeeze %dma_start3A_17 : memref<1x10240xf32, #tpu.memory_space<hbm>> -> memref<10240xf32, #tpu.memory_space<hbm>>
      tpu.enqueue_dma source(%arg5 : memref<10240xf32, #tpu.memory_space<vmem>>) target(%dma_start3A_18 : memref<10240xf32, #tpu.memory_space<hbm>>) target_semaphore(%run_scoped3A : memref<!tpu.dma_semaphore, #tpu.memory_space<semaphore_mem>>)
      %dma_wait3A = arith.constant 0 : i32
      %dma_wait3A_19 = tpu.memref_slice %arg3[%add3A, %dma_wait3A] : memref<32x10240xf32, #tpu.memory_space<hbm>> -> memref<1x10240xf32, #tpu.memory_space<hbm>>
      %dma_wait3A_20 = tpu.memref_squeeze %dma_wait3A_19 : memref<1x10240xf32, #tpu.memory_space<hbm>> -> memref<10240xf32, #tpu.memory_space<hbm>>
      %dma_wait3A_21 = arith.constant 0 : i32
      %dma_wait3A_22 = tpu.memref_slice %arg3[%add3A, %dma_wait3A_21] : memref<32x10240xf32, #tpu.memory_space<hbm>> -> memref<1x10240xf32, #tpu.memory_space<hbm>>
      %dma_wait3A_23 = tpu.memref_squeeze %dma_wait3A_22 : memref<1x10240xf32, #tpu.memory_space<hbm>> -> memref<10240xf32, #tpu.memory_space<hbm>>
      tpu.wait_dma2 semaphore(%run_scoped3A : memref<!tpu.dma_semaphore, #tpu.memory_space<semaphore_mem>>) src(%arg5 : memref<10240xf32, #tpu.memory_space<vmem>>) dst(%dma_wait3A_23 : memref<10240xf32, #tpu.memory_space<hbm>>)
      tpu.yield
    }) : () -> ()
    return
  }
}

#map = affine_map<(d0, d1) -> (0, 0)>
#map1 = affine_map<(d0, d1) -> (0)>
#map2 = affine_map<(d0, d1) -> (0, 0, 0)>
module attributes {stable_mosaic.version = 14 : i64} {
  func.func @_agg_body(%arg0: i32, %arg1: i32, %arg2: memref<10240x128xf32, #tpu.memory_space<hbm>>, %arg3: memref<335872xi32, #tpu.memory_space<hbm>>, %arg4: memref<335872xi32, #tpu.memory_space<hbm>>, %arg5: memref<2x10240x128xf32, #tpu.memory_space<hbm>>, %arg6: memref<10496xi32, #tpu.memory_space<vmem>>, %arg7: memref<128xi32, #tpu.memory_space<vmem>>, %arg8: memref<128xi32, #tpu.memory_space<vmem>>, %arg9: memref<2x128x128xf32, #tpu.memory_space<vmem>>, %arg10: memref<10240x128xf32, #tpu.memory_space<vmem_shared>>, %arg11: memref<!tpu.dma_semaphore, #tpu.memory_space<semaphore_mem>>, %arg12: memref<!tpu.dma_semaphore, #tpu.memory_space<semaphore_mem>>, %arg13: memref<!tpu.dma_semaphore, #tpu.memory_space<semaphore_mem>>, %arg14: memref<!tpu.dma_semaphore, #tpu.memory_space<semaphore_mem>>) attributes {dimension_semantics = [#tpu.dimension_semantics<core_parallel>, #tpu.dimension_semantics<subcore_parallel>], iteration_bounds = array<i64: 2, 16>, scalar_prefetch = 0 : i64, scratch_operands = 9 : i64, tpu.core_type = #tpu.core_type<sc_vector_subcore>, window_params = [{transform_indices = #map}, {transform_indices = #map1}, {transform_indices = #map1}, {transform_indices = #map2}]} {
    %mul3A = arith.constant 16 : i32
    %mul3A_0 = arith.muli %arg0, %mul3A : i32
    %add3A = arith.addi %mul3A_0, %arg1 : i32
    %scan3A = arith.constant 0 : i32
    %scan3A_1 = arith.constant 0 : i32
    %scan3A_2 = arith.constant 128 : i32
    %scan3A_3 = arith.addi %scan3A_1, %scan3A_2 : i32
    %scan3A_4 = arith.constant 1 : i32
    scf.for %scan3A_74 = %scan3A_1 to %scan3A_3 step %scan3A_4  : i32 {
      %broadcast_in_dim3A = arith.constant 0.000000e+00 : f32
      %broadcast_in_dim3A_75 = vector.broadcast %broadcast_in_dim3A : f32 to vector<16xf32>
      %swap3A = arith.constant 0 : i32
      %swap3A_76 = arith.index_cast %swap3A : i32 to index
      %swap3A_77 = arith.index_cast %scan3A_74 : i32 to index
      %swap3A_78 = arith.constant 0 : index
      %swap3A_79 = tpu.vector_load %arg9[%swap3A_76, %swap3A_77, %swap3A_78] {strides = array<i32>} : memref<2x128x128xf32, #tpu.memory_space<vmem>>, vector<1x1x16xf32>,
      %swap3A_80 = vector.shape_cast %swap3A_79 : vector<1x1x16xf32> to vector<16xf32>
      %swap3A_81 = vector.shape_cast %broadcast_in_dim3A_75 : vector<16xf32> to vector<1x1x16xf32>
      tpu.vector_store %arg9[%swap3A_76, %swap3A_77, %swap3A_78], %swap3A_81 {strides = array<i32>} : memref<2x128x128xf32, #tpu.memory_space<vmem>>, vector<1x1x16xf32>,
      %broadcast_in_dim3A_82 = arith.constant 0.000000e+00 : f32
      %broadcast_in_dim3A_83 = vector.broadcast %broadcast_in_dim3A_82 : f32 to vector<16xf32>
      %swap3A_84 = arith.constant 0 : i32
      %swap3A_85 = arith.index_cast %swap3A_84 : i32 to index
      %swap3A_86 = arith.index_cast %scan3A_74 : i32 to index
      %swap3A_87 = arith.constant 16 : index
      %swap3A_88 = tpu.vector_load %arg9[%swap3A_85, %swap3A_86, %swap3A_87] {strides = array<i32>} : memref<2x128x128xf32, #tpu.memory_space<vmem>>, vector<1x1x16xf32>,
      %swap3A_89 = vector.shape_cast %swap3A_88 : vector<1x1x16xf32> to vector<16xf32>
      %swap3A_90 = vector.shape_cast %broadcast_in_dim3A_83 : vector<16xf32> to vector<1x1x16xf32>
      tpu.vector_store %arg9[%swap3A_85, %swap3A_86, %swap3A_87], %swap3A_90 {strides = array<i32>} : memref<2x128x128xf32, #tpu.memory_space<vmem>>, vector<1x1x16xf32>,
      %broadcast_in_dim3A_91 = arith.constant 0.000000e+00 : f32
      %broadcast_in_dim3A_92 = vector.broadcast %broadcast_in_dim3A_91 : f32 to vector<16xf32>
      %swap3A_93 = arith.constant 0 : i32
      %swap3A_94 = arith.index_cast %swap3A_93 : i32 to index
      %swap3A_95 = arith.index_cast %scan3A_74 : i32 to index
      %swap3A_96 = arith.constant 32 : index
      %swap3A_97 = tpu.vector_load %arg9[%swap3A_94, %swap3A_95, %swap3A_96] {strides = array<i32>} : memref<2x128x128xf32, #tpu.memory_space<vmem>>, vector<1x1x16xf32>,
      %swap3A_98 = vector.shape_cast %swap3A_97 : vector<1x1x16xf32> to vector<16xf32>
      %swap3A_99 = vector.shape_cast %broadcast_in_dim3A_92 : vector<16xf32> to vector<1x1x16xf32>
      tpu.vector_store %arg9[%swap3A_94, %swap3A_95, %swap3A_96], %swap3A_99 {strides = array<i32>} : memref<2x128x128xf32, #tpu.memory_space<vmem>>, vector<1x1x16xf32>,
      %broadcast_in_dim3A_100 = arith.constant 0.000000e+00 : f32
      %broadcast_in_dim3A_101 = vector.broadcast %broadcast_in_dim3A_100 : f32 to vector<16xf32>
      %swap3A_102 = arith.constant 0 : i32
      %swap3A_103 = arith.index_cast %swap3A_102 : i32 to index
      %swap3A_104 = arith.index_cast %scan3A_74 : i32 to index
      %swap3A_105 = arith.constant 48 : index
      %swap3A_106 = tpu.vector_load %arg9[%swap3A_103, %swap3A_104, %swap3A_105] {strides = array<i32>} : memref<2x128x128xf32, #tpu.memory_space<vmem>>, vector<1x1x16xf32>,
      %swap3A_107 = vector.shape_cast %swap3A_106 : vector<1x1x16xf32> to vector<16xf32>
      %swap3A_108 = vector.shape_cast %broadcast_in_dim3A_101 : vector<16xf32> to vector<1x1x16xf32>
      tpu.vector_store %arg9[%swap3A_103, %swap3A_104, %swap3A_105], %swap3A_108 {strides = array<i32>} : memref<2x128x128xf32, #tpu.memory_space<vmem>>, vector<1x1x16xf32>,
      %broadcast_in_dim3A_109 = arith.constant 0.000000e+00 : f32
      %broadcast_in_dim3A_110 = vector.broadcast %broadcast_in_dim3A_109 : f32 to vector<16xf32>
      %swap3A_111 = arith.constant 0 : i32
      %swap3A_112 = arith.index_cast %swap3A_111 : i32 to index
      %swap3A_113 = arith.index_cast %scan3A_74 : i32 to index
      %swap3A_114 = arith.constant 64 : index
      %swap3A_115 = tpu.vector_load %arg9[%swap3A_112, %swap3A_113, %swap3A_114] {strides = array<i32>} : memref<2x128x128xf32, #tpu.memory_space<vmem>>, vector<1x1x16xf32>,
      %swap3A_116 = vector.shape_cast %swap3A_115 : vector<1x1x16xf32> to vector<16xf32>
      %swap3A_117 = vector.shape_cast %broadcast_in_dim3A_110 : vector<16xf32> to vector<1x1x16xf32>
      tpu.vector_store %arg9[%swap3A_112, %swap3A_113, %swap3A_114], %swap3A_117 {strides = array<i32>} : memref<2x128x128xf32, #tpu.memory_space<vmem>>, vector<1x1x16xf32>,
      %broadcast_in_dim3A_118 = arith.constant 0.000000e+00 : f32
      %broadcast_in_dim3A_119 = vector.broadcast %broadcast_in_dim3A_118 : f32 to vector<16xf32>
      %swap3A_120 = arith.constant 0 : i32
      %swap3A_121 = arith.index_cast %swap3A_120 : i32 to index
      %swap3A_122 = arith.index_cast %scan3A_74 : i32 to index
      %swap3A_123 = arith.constant 80 : index
      %swap3A_124 = tpu.vector_load %arg9[%swap3A_121, %swap3A_122, %swap3A_123] {strides = array<i32>} : memref<2x128x128xf32, #tpu.memory_space<vmem>>, vector<1x1x16xf32>,
      %swap3A_125 = vector.shape_cast %swap3A_124 : vector<1x1x16xf32> to vector<16xf32>
      %swap3A_126 = vector.shape_cast %broadcast_in_dim3A_119 : vector<16xf32> to vector<1x1x16xf32>
      tpu.vector_store %arg9[%swap3A_121, %swap3A_122, %swap3A_123], %swap3A_126 {strides = array<i32>} : memref<2x128x128xf32, #tpu.memory_space<vmem>>, vector<1x1x16xf32>,
      %broadcast_in_dim3A_127 = arith.constant 0.000000e+00 : f32
      %broadcast_in_dim3A_128 = vector.broadcast %broadcast_in_dim3A_127 : f32 to vector<16xf32>
      %swap3A_129 = arith.constant 0 : i32
      %swap3A_130 = arith.index_cast %swap3A_129 : i32 to index
      %swap3A_131 = arith.index_cast %scan3A_74 : i32 to index
      %swap3A_132 = arith.constant 96 : index
      %swap3A_133 = tpu.vector_load %arg9[%swap3A_130, %swap3A_131, %swap3A_132] {strides = array<i32>} : memref<2x128x128xf32, #tpu.memory_space<vmem>>, vector<1x1x16xf32>,
      %swap3A_134 = vector.shape_cast %swap3A_133 : vector<1x1x16xf32> to vector<16xf32>
      %swap3A_135 = vector.shape_cast %broadcast_in_dim3A_128 : vector<16xf32> to vector<1x1x16xf32>
      tpu.vector_store %arg9[%swap3A_130, %swap3A_131, %swap3A_132], %swap3A_135 {strides = array<i32>} : memref<2x128x128xf32, #tpu.memory_space<vmem>>, vector<1x1x16xf32>,
      %broadcast_in_dim3A_136 = arith.constant 0.000000e+00 : f32
      %broadcast_in_dim3A_137 = vector.broadcast %broadcast_in_dim3A_136 : f32 to vector<16xf32>
      %swap3A_138 = arith.constant 0 : i32
      %swap3A_139 = arith.index_cast %swap3A_138 : i32 to index
      %swap3A_140 = arith.index_cast %scan3A_74 : i32 to index
      %swap3A_141 = arith.constant 112 : index
      %swap3A_142 = tpu.vector_load %arg9[%swap3A_139, %swap3A_140, %swap3A_141] {strides = array<i32>} : memref<2x128x128xf32, #tpu.memory_space<vmem>>, vector<1x1x16xf32>,
      %swap3A_143 = vector.shape_cast %swap3A_142 : vector<1x1x16xf32> to vector<16xf32>
      %swap3A_144 = vector.shape_cast %broadcast_in_dim3A_137 : vector<16xf32> to vector<1x1x16xf32>
      tpu.vector_store %arg9[%swap3A_139, %swap3A_140, %swap3A_141], %swap3A_144 {strides = array<i32>} : memref<2x128x128xf32, #tpu.memory_space<vmem>>, vector<1x1x16xf32>,
    }
    %scan3A_5 = arith.constant 128 : i32
    %mul3A_6 = arith.constant 640 : i32
    %mul3A_7 = arith.muli %arg1, %mul3A_6 : i32
    %add3A_8 = arith.constant 0 : i32
    %add3A_9 = arith.addi %mul3A_7, %add3A_8 : i32
    %run_scoped3A = arith.constant 0 : i32
    "tpu.region"() ({
      %run_scoped3A_74 = tpu.sem_alloc : memref<!tpu.dma_semaphore, #tpu.memory_space<semaphore_mem>>
      %dma_start3A_75 = arith.constant 0 : i32
      %dma_start3A_76 = arith.constant 0 : i32
      %dma_start3A_77 = tpu.memref_slice %arg9[%run_scoped3A, %dma_start3A_75, %dma_start3A_76] : memref<2x128x128xf32, #tpu.memory_space<vmem>> -> memref<1x128x128xf32, #tpu.memory_space<vmem>>
      %dma_start3A_78 = tpu.memref_squeeze %dma_start3A_77 : memref<1x128x128xf32, #tpu.memory_space<vmem>> -> memref<128x128xf32, #tpu.memory_space<vmem>>
      %dma_start3A_79 = arith.constant 0 : i32
      %dma_start3A_80 = tpu.memref_slice %arg10[%add3A_9, %dma_start3A_79] : memref<10240x128xf32, #tpu.memory_space<vmem_shared>> -> memref<128x128xf32, #tpu.memory_space<vmem_shared>>
      %dma_start3A_81 = arith.constant 0 : i32
      %dma_start3A_82 = tpu.memref_slice %arg10[%add3A_9, %dma_start3A_81] : memref<10240x128xf32, #tpu.memory_space<vmem_shared>> -> memref<128x128xf32, #tpu.memory_space<vmem_shared>>
      %dma_start3A_83 = arith.constant 0 : i32
      %dma_start3A_84 = arith.constant 0 : i32
      %dma_start3A_85 = tpu.memref_slice %arg9[%run_scoped3A, %dma_start3A_83, %dma_start3A_84] : memref<2x128x128xf32, #tpu.memory_space<vmem>> -> memref<1x128x128xf32, #tpu.memory_space<vmem>>
      %dma_start3A_86 = tpu.memref_squeeze %dma_start3A_85 : memref<1x128x128xf32, #tpu.memory_space<vmem>> -> memref<128x128xf32, #tpu.memory_space<vmem>>
      tpu.enqueue_dma source(%dma_start3A_86 : memref<128x128xf32, #tpu.memory_space<vmem>>) target(%dma_start3A_82 : memref<128x128xf32, #tpu.memory_space<vmem_shared>>) target_semaphore(%run_scoped3A_74 : memref<!tpu.dma_semaphore, #tpu.memory_space<semaphore_mem>>)
      %dma_wait3A = arith.constant 0 : i32
      %dma_wait3A_87 = arith.constant 0 : i32
      %dma_wait3A_88 = tpu.memref_slice %arg9[%run_scoped3A, %dma_wait3A, %dma_wait3A_87] : memref<2x128x128xf32, #tpu.memory_space<vmem>> -> memref<1x128x128xf32, #tpu.memory_space<vmem>>
      %dma_wait3A_89 = tpu.memref_squeeze %dma_wait3A_88 : memref<1x128x128xf32, #tpu.memory_space<vmem>> -> memref<128x128xf32, #tpu.memory_space<vmem>>
      %dma_wait3A_90 = arith.constant 0 : i32
      %dma_wait3A_91 = tpu.memref_slice %arg10[%add3A_9, %dma_wait3A_90] : memref<10240x128xf32, #tpu.memory_space<vmem_shared>> -> memref<128x128xf32, #tpu.memory_space<vmem_shared>>
      %dma_wait3A_92 = arith.constant 0 : i32
      %dma_wait3A_93 = tpu.memref_slice %arg10[%add3A_9, %dma_wait3A_92] : memref<10240x128xf32, #tpu.memory_space<vmem_shared>> -> memref<128x128xf32, #tpu.memory_space<vmem_shared>>
      %dma_wait3A_94 = arith.constant 0 : i32
      %dma_wait3A_95 = arith.constant 0 : i32
      %dma_wait3A_96 = tpu.memref_slice %arg9[%run_scoped3A, %dma_wait3A_94, %dma_wait3A_95] : memref<2x128x128xf32, #tpu.memory_space<vmem>> -> memref<1x128x128xf32, #tpu.memory_space<vmem>>
      %dma_wait3A_97 = tpu.memref_squeeze %dma_wait3A_96 : memref<1x128x128xf32, #tpu.memory_space<vmem>> -> memref<128x128xf32, #tpu.memory_space<vmem>>
      tpu.wait_dma2 semaphore(%run_scoped3A_74 : memref<!tpu.dma_semaphore, #tpu.memory_space<semaphore_mem>>) src(%dma_wait3A_97 : memref<128x128xf32, #tpu.memory_space<vmem>>) dst(%dma_wait3A_93 : memref<128x128xf32, #tpu.memory_space<vmem_shared>>)
      tpu.yield
    }) : () -> ()
    %mul3A_10 = arith.constant 640 : i32
    %mul3A_11 = arith.muli %arg1, %mul3A_10 : i32
    %add3A_12 = arith.constant 128 : i32
    %add3A_13 = arith.addi %mul3A_11, %add3A_12 : i32
    %run_scoped3A_14 = arith.constant 0 : i32
    "tpu.region"() ({
      %run_scoped3A_74 = tpu.sem_alloc : memref<!tpu.dma_semaphore, #tpu.memory_space<semaphore_mem>>
      %dma_start3A_75 = arith.constant 0 : i32
      %dma_start3A_76 = arith.constant 0 : i32
      %dma_start3A_77 = tpu.memref_slice %arg9[%run_scoped3A_14, %dma_start3A_75, %dma_start3A_76] : memref<2x128x128xf32, #tpu.memory_space<vmem>> -> memref<1x128x128xf32, #tpu.memory_space<vmem>>
      %dma_start3A_78 = tpu.memref_squeeze %dma_start3A_77 : memref<1x128x128xf32, #tpu.memory_space<vmem>> -> memref<128x128xf32, #tpu.memory_space<vmem>>
      %dma_start3A_79 = arith.constant 0 : i32
      %dma_start3A_80 = tpu.memref_slice %arg10[%add3A_13, %dma_start3A_79] : memref<10240x128xf32, #tpu.memory_space<vmem_shared>> -> memref<128x128xf32, #tpu.memory_space<vmem_shared>>
      %dma_start3A_81 = arith.constant 0 : i32
      %dma_start3A_82 = tpu.memref_slice %arg10[%add3A_13, %dma_start3A_81] : memref<10240x128xf32, #tpu.memory_space<vmem_shared>> -> memref<128x128xf32, #tpu.memory_space<vmem_shared>>
      %dma_start3A_83 = arith.constant 0 : i32
      %dma_start3A_84 = arith.constant 0 : i32
      %dma_start3A_85 = tpu.memref_slice %arg9[%run_scoped3A_14, %dma_start3A_83, %dma_start3A_84] : memref<2x128x128xf32, #tpu.memory_space<vmem>> -> memref<1x128x128xf32, #tpu.memory_space<vmem>>
      %dma_start3A_86 = tpu.memref_squeeze %dma_start3A_85 : memref<1x128x128xf32, #tpu.memory_space<vmem>> -> memref<128x128xf32, #tpu.memory_space<vmem>>
      tpu.enqueue_dma source(%dma_start3A_86 : memref<128x128xf32, #tpu.memory_space<vmem>>) target(%dma_start3A_82 : memref<128x128xf32, #tpu.memory_space<vmem_shared>>) target_semaphore(%run_scoped3A_74 : memref<!tpu.dma_semaphore, #tpu.memory_space<semaphore_mem>>)
      %dma_wait3A = arith.constant 0 : i32
      %dma_wait3A_87 = arith.constant 0 : i32
      %dma_wait3A_88 = tpu.memref_slice %arg9[%run_scoped3A_14, %dma_wait3A, %dma_wait3A_87] : memref<2x128x128xf32, #tpu.memory_space<vmem>> -> memref<1x128x128xf32, #tpu.memory_space<vmem>>
      %dma_wait3A_89 = tpu.memref_squeeze %dma_wait3A_88 : memref<1x128x128xf32, #tpu.memory_space<vmem>> -> memref<128x128xf32, #tpu.memory_space<vmem>>
      %dma_wait3A_90 = arith.constant 0 : i32
      %dma_wait3A_91 = tpu.memref_slice %arg10[%add3A_13, %dma_wait3A_90] : memref<10240x128xf32, #tpu.memory_space<vmem_shared>> -> memref<128x128xf32, #tpu.memory_space<vmem_shared>>
      %dma_wait3A_92 = arith.constant 0 : i32
      %dma_wait3A_93 = tpu.memref_slice %arg10[%add3A_13, %dma_wait3A_92] : memref<10240x128xf32, #tpu.memory_space<vmem_shared>> -> memref<128x128xf32, #tpu.memory_space<vmem_shared>>
      %dma_wait3A_94 = arith.constant 0 : i32
      %dma_wait3A_95 = arith.constant 0 : i32
      %dma_wait3A_96 = tpu.memref_slice %arg9[%run_scoped3A_14, %dma_wait3A_94, %dma_wait3A_95] : memref<2x128x128xf32, #tpu.memory_space<vmem>> -> memref<1x128x128xf32, #tpu.memory_space<vmem>>
      %dma_wait3A_97 = tpu.memref_squeeze %dma_wait3A_96 : memref<1x128x128xf32, #tpu.memory_space<vmem>> -> memref<128x128xf32, #tpu.memory_space<vmem>>
      tpu.wait_dma2 semaphore(%run_scoped3A_74 : memref<!tpu.dma_semaphore, #tpu.memory_space<semaphore_mem>>) src(%dma_wait3A_97 : memref<128x128xf32, #tpu.memory_space<vmem>>) dst(%dma_wait3A_93 : memref<128x128xf32, #tpu.memory_space<vmem_shared>>)
      tpu.yield
    }) : () -> ()
    %mul3A_15 = arith.constant 640 : i32
    %mul3A_16 = arith.muli %arg1, %mul3A_15 : i32
    %add3A_17 = arith.constant 256 : i32
    %add3A_18 = arith.addi %mul3A_16, %add3A_17 : i32
    %run_scoped3A_19 = arith.constant 0 : i32
    "tpu.region"() ({
      %run_scoped3A_74 = tpu.sem_alloc : memref<!tpu.dma_semaphore, #tpu.memory_space<semaphore_mem>>
      %dma_start3A_75 = arith.constant 0 : i32
      %dma_start3A_76 = arith.constant 0 : i32
      %dma_start3A_77 = tpu.memref_slice %arg9[%run_scoped3A_19, %dma_start3A_75, %dma_start3A_76] : memref<2x128x128xf32, #tpu.memory_space<vmem>> -> memref<1x128x128xf32, #tpu.memory_space<vmem>>
      %dma_start3A_78 = tpu.memref_squeeze %dma_start3A_77 : memref<1x128x128xf32, #tpu.memory_space<vmem>> -> memref<128x128xf32, #tpu.memory_space<vmem>>
      %dma_start3A_79 = arith.constant 0 : i32
      %dma_start3A_80 = tpu.memref_slice %arg10[%add3A_18, %dma_start3A_79] : memref<10240x128xf32, #tpu.memory_space<vmem_shared>> -> memref<128x128xf32, #tpu.memory_space<vmem_shared>>
      %dma_start3A_81 = arith.constant 0 : i32
      %dma_start3A_82 = tpu.memref_slice %arg10[%add3A_18, %dma_start3A_81] : memref<10240x128xf32, #tpu.memory_space<vmem_shared>> -> memref<128x128xf32, #tpu.memory_space<vmem_shared>>
      %dma_start3A_83 = arith.constant 0 : i32
      %dma_start3A_84 = arith.constant 0 : i32
      %dma_start3A_85 = tpu.memref_slice %arg9[%run_scoped3A_19, %dma_start3A_83, %dma_start3A_84] : memref<2x128x128xf32, #tpu.memory_space<vmem>> -> memref<1x128x128xf32, #tpu.memory_space<vmem>>
      %dma_start3A_86 = tpu.memref_squeeze %dma_start3A_85 : memref<1x128x128xf32, #tpu.memory_space<vmem>> -> memref<128x128xf32, #tpu.memory_space<vmem>>
      tpu.enqueue_dma source(%dma_start3A_86 : memref<128x128xf32, #tpu.memory_space<vmem>>) target(%dma_start3A_82 : memref<128x128xf32, #tpu.memory_space<vmem_shared>>) target_semaphore(%run_scoped3A_74 : memref<!tpu.dma_semaphore, #tpu.memory_space<semaphore_mem>>)
      %dma_wait3A = arith.constant 0 : i32
      %dma_wait3A_87 = arith.constant 0 : i32
      %dma_wait3A_88 = tpu.memref_slice %arg9[%run_scoped3A_19, %dma_wait3A, %dma_wait3A_87] : memref<2x128x128xf32, #tpu.memory_space<vmem>> -> memref<1x128x128xf32, #tpu.memory_space<vmem>>
      %dma_wait3A_89 = tpu.memref_squeeze %dma_wait3A_88 : memref<1x128x128xf32, #tpu.memory_space<vmem>> -> memref<128x128xf32, #tpu.memory_space<vmem>>
      %dma_wait3A_90 = arith.constant 0 : i32
      %dma_wait3A_91 = tpu.memref_slice %arg10[%add3A_18, %dma_wait3A_90] : memref<10240x128xf32, #tpu.memory_space<vmem_shared>> -> memref<128x128xf32, #tpu.memory_space<vmem_shared>>
      %dma_wait3A_92 = arith.constant 0 : i32
      %dma_wait3A_93 = tpu.memref_slice %arg10[%add3A_18, %dma_wait3A_92] : memref<10240x128xf32, #tpu.memory_space<vmem_shared>> -> memref<128x128xf32, #tpu.memory_space<vmem_shared>>
      %dma_wait3A_94 = arith.constant 0 : i32
      %dma_wait3A_95 = arith.constant 0 : i32
      %dma_wait3A_96 = tpu.memref_slice %arg9[%run_scoped3A_19, %dma_wait3A_94, %dma_wait3A_95] : memref<2x128x128xf32, #tpu.memory_space<vmem>> -> memref<1x128x128xf32, #tpu.memory_space<vmem>>
      %dma_wait3A_97 = tpu.memref_squeeze %dma_wait3A_96 : memref<1x128x128xf32, #tpu.memory_space<vmem>> -> memref<128x128xf32, #tpu.memory_space<vmem>>
      tpu.wait_dma2 semaphore(%run_scoped3A_74 : memref<!tpu.dma_semaphore, #tpu.memory_space<semaphore_mem>>) src(%dma_wait3A_97 : memref<128x128xf32, #tpu.memory_space<vmem>>) dst(%dma_wait3A_93 : memref<128x128xf32, #tpu.memory_space<vmem_shared>>)
      tpu.yield
    }) : () -> ()
    %mul3A_20 = arith.constant 640 : i32
    %mul3A_21 = arith.muli %arg1, %mul3A_20 : i32
    %add3A_22 = arith.constant 384 : i32
    %add3A_23 = arith.addi %mul3A_21, %add3A_22 : i32
    %run_scoped3A_24 = arith.constant 0 : i32
    "tpu.region"() ({
      %run_scoped3A_74 = tpu.sem_alloc : memref<!tpu.dma_semaphore, #tpu.memory_space<semaphore_mem>>
      %dma_start3A_75 = arith.constant 0 : i32
      %dma_start3A_76 = arith.constant 0 : i32
      %dma_start3A_77 = tpu.memref_slice %arg9[%run_scoped3A_24, %dma_start3A_75, %dma_start3A_76] : memref<2x128x128xf32, #tpu.memory_space<vmem>> -> memref<1x128x128xf32, #tpu.memory_space<vmem>>
      %dma_start3A_78 = tpu.memref_squeeze %dma_start3A_77 : memref<1x128x128xf32, #tpu.memory_space<vmem>> -> memref<128x128xf32, #tpu.memory_space<vmem>>
      %dma_start3A_79 = arith.constant 0 : i32
      %dma_start3A_80 = tpu.memref_slice %arg10[%add3A_23, %dma_start3A_79] : memref<10240x128xf32, #tpu.memory_space<vmem_shared>> -> memref<128x128xf32, #tpu.memory_space<vmem_shared>>
      %dma_start3A_81 = arith.constant 0 : i32
      %dma_start3A_82 = tpu.memref_slice %arg10[%add3A_23, %dma_start3A_81] : memref<10240x128xf32, #tpu.memory_space<vmem_shared>> -> memref<128x128xf32, #tpu.memory_space<vmem_shared>>
      %dma_start3A_83 = arith.constant 0 : i32
      %dma_start3A_84 = arith.constant 0 : i32
      %dma_start3A_85 = tpu.memref_slice %arg9[%run_scoped3A_24, %dma_start3A_83, %dma_start3A_84] : memref<2x128x128xf32, #tpu.memory_space<vmem>> -> memref<1x128x128xf32, #tpu.memory_space<vmem>>
      %dma_start3A_86 = tpu.memref_squeeze %dma_start3A_85 : memref<1x128x128xf32, #tpu.memory_space<vmem>> -> memref<128x128xf32, #tpu.memory_space<vmem>>
      tpu.enqueue_dma source(%dma_start3A_86 : memref<128x128xf32, #tpu.memory_space<vmem>>) target(%dma_start3A_82 : memref<128x128xf32, #tpu.memory_space<vmem_shared>>) target_semaphore(%run_scoped3A_74 : memref<!tpu.dma_semaphore, #tpu.memory_space<semaphore_mem>>)
      %dma_wait3A = arith.constant 0 : i32
      %dma_wait3A_87 = arith.constant 0 : i32
      %dma_wait3A_88 = tpu.memref_slice %arg9[%run_scoped3A_24, %dma_wait3A, %dma_wait3A_87] : memref<2x128x128xf32, #tpu.memory_space<vmem>> -> memref<1x128x128xf32, #tpu.memory_space<vmem>>
      %dma_wait3A_89 = tpu.memref_squeeze %dma_wait3A_88 : memref<1x128x128xf32, #tpu.memory_space<vmem>> -> memref<128x128xf32, #tpu.memory_space<vmem>>
      %dma_wait3A_90 = arith.constant 0 : i32
      %dma_wait3A_91 = tpu.memref_slice %arg10[%add3A_23, %dma_wait3A_90] : memref<10240x128xf32, #tpu.memory_space<vmem_shared>> -> memref<128x128xf32, #tpu.memory_space<vmem_shared>>
      %dma_wait3A_92 = arith.constant 0 : i32
      %dma_wait3A_93 = tpu.memref_slice %arg10[%add3A_23, %dma_wait3A_92] : memref<10240x128xf32, #tpu.memory_space<vmem_shared>> -> memref<128x128xf32, #tpu.memory_space<vmem_shared>>
      %dma_wait3A_94 = arith.constant 0 : i32
      %dma_wait3A_95 = arith.constant 0 : i32
      %dma_wait3A_96 = tpu.memref_slice %arg9[%run_scoped3A_24, %dma_wait3A_94, %dma_wait3A_95] : memref<2x128x128xf32, #tpu.memory_space<vmem>> -> memref<1x128x128xf32, #tpu.memory_space<vmem>>
      %dma_wait3A_97 = tpu.memref_squeeze %dma_wait3A_96 : memref<1x128x128xf32, #tpu.memory_space<vmem>> -> memref<128x128xf32, #tpu.memory_space<vmem>>
      tpu.wait_dma2 semaphore(%run_scoped3A_74 : memref<!tpu.dma_semaphore, #tpu.memory_space<semaphore_mem>>) src(%dma_wait3A_97 : memref<128x128xf32, #tpu.memory_space<vmem>>) dst(%dma_wait3A_93 : memref<128x128xf32, #tpu.memory_space<vmem_shared>>)
      tpu.yield
    }) : () -> ()
    %mul3A_25 = arith.constant 640 : i32
    %mul3A_26 = arith.muli %arg1, %mul3A_25 : i32
    %add3A_27 = arith.constant 512 : i32
    %add3A_28 = arith.addi %mul3A_26, %add3A_27 : i32
    %run_scoped3A_29 = arith.constant 0 : i32
    "tpu.region"() ({
      %run_scoped3A_74 = tpu.sem_alloc : memref<!tpu.dma_semaphore, #tpu.memory_space<semaphore_mem>>
      %dma_start3A_75 = arith.constant 0 : i32
      %dma_start3A_76 = arith.constant 0 : i32
      %dma_start3A_77 = tpu.memref_slice %arg9[%run_scoped3A_29, %dma_start3A_75, %dma_start3A_76] : memref<2x128x128xf32, #tpu.memory_space<vmem>> -> memref<1x128x128xf32, #tpu.memory_space<vmem>>
      %dma_start3A_78 = tpu.memref_squeeze %dma_start3A_77 : memref<1x128x128xf32, #tpu.memory_space<vmem>> -> memref<128x128xf32, #tpu.memory_space<vmem>>
      %dma_start3A_79 = arith.constant 0 : i32
      %dma_start3A_80 = tpu.memref_slice %arg10[%add3A_28, %dma_start3A_79] : memref<10240x128xf32, #tpu.memory_space<vmem_shared>> -> memref<128x128xf32, #tpu.memory_space<vmem_shared>>
      %dma_start3A_81 = arith.constant 0 : i32
      %dma_start3A_82 = tpu.memref_slice %arg10[%add3A_28, %dma_start3A_81] : memref<10240x128xf32, #tpu.memory_space<vmem_shared>> -> memref<128x128xf32, #tpu.memory_space<vmem_shared>>
      %dma_start3A_83 = arith.constant 0 : i32
      %dma_start3A_84 = arith.constant 0 : i32
      %dma_start3A_85 = tpu.memref_slice %arg9[%run_scoped3A_29, %dma_start3A_83, %dma_start3A_84] : memref<2x128x128xf32, #tpu.memory_space<vmem>> -> memref<1x128x128xf32, #tpu.memory_space<vmem>>
      %dma_start3A_86 = tpu.memref_squeeze %dma_start3A_85 : memref<1x128x128xf32, #tpu.memory_space<vmem>> -> memref<128x128xf32, #tpu.memory_space<vmem>>
      tpu.enqueue_dma source(%dma_start3A_86 : memref<128x128xf32, #tpu.memory_space<vmem>>) target(%dma_start3A_82 : memref<128x128xf32, #tpu.memory_space<vmem_shared>>) target_semaphore(%run_scoped3A_74 : memref<!tpu.dma_semaphore, #tpu.memory_space<semaphore_mem>>)
      %dma_wait3A = arith.constant 0 : i32
      %dma_wait3A_87 = arith.constant 0 : i32
      %dma_wait3A_88 = tpu.memref_slice %arg9[%run_scoped3A_29, %dma_wait3A, %dma_wait3A_87] : memref<2x128x128xf32, #tpu.memory_space<vmem>> -> memref<1x128x128xf32, #tpu.memory_space<vmem>>
      %dma_wait3A_89 = tpu.memref_squeeze %dma_wait3A_88 : memref<1x128x128xf32, #tpu.memory_space<vmem>> -> memref<128x128xf32, #tpu.memory_space<vmem>>
      %dma_wait3A_90 = arith.constant 0 : i32
      %dma_wait3A_91 = tpu.memref_slice %arg10[%add3A_28, %dma_wait3A_90] : memref<10240x128xf32, #tpu.memory_space<vmem_shared>> -> memref<128x128xf32, #tpu.memory_space<vmem_shared>>
      %dma_wait3A_92 = arith.constant 0 : i32
      %dma_wait3A_93 = tpu.memref_slice %arg10[%add3A_28, %dma_wait3A_92] : memref<10240x128xf32, #tpu.memory_space<vmem_shared>> -> memref<128x128xf32, #tpu.memory_space<vmem_shared>>
      %dma_wait3A_94 = arith.constant 0 : i32
      %dma_wait3A_95 = arith.constant 0 : i32
      %dma_wait3A_96 = tpu.memref_slice %arg9[%run_scoped3A_29, %dma_wait3A_94, %dma_wait3A_95] : memref<2x128x128xf32, #tpu.memory_space<vmem>> -> memref<1x128x128xf32, #tpu.memory_space<vmem>>
      %dma_wait3A_97 = tpu.memref_squeeze %dma_wait3A_96 : memref<1x128x128xf32, #tpu.memory_space<vmem>> -> memref<128x128xf32, #tpu.memory_space<vmem>>
      tpu.wait_dma2 semaphore(%run_scoped3A_74 : memref<!tpu.dma_semaphore, #tpu.memory_space<semaphore_mem>>) src(%dma_wait3A_97 : memref<128x128xf32, #tpu.memory_space<vmem>>) dst(%dma_wait3A_93 : memref<128x128xf32, #tpu.memory_space<vmem_shared>>)
      tpu.yield
    }) : () -> ()
    %mul3A_30 = arith.constant 10496 : i32
    %mul3A_31 = arith.muli %add3A, %mul3A_30 : i32
    "tpu.region"() ({
      %run_scoped3A_74 = tpu.sem_alloc : memref<!tpu.dma_semaphore, #tpu.memory_space<semaphore_mem>>
      %dma_start3A_75 = tpu.memref_slice %arg3[%mul3A_31] : memref<335872xi32, #tpu.memory_space<hbm>> -> memref<10496xi32, #tpu.memory_space<hbm>>
      %dma_start3A_76 = tpu.memref_slice %arg3[%mul3A_31] : memref<335872xi32, #tpu.memory_space<hbm>> -> memref<10496xi32, #tpu.memory_space<hbm>>
      tpu.enqueue_dma source(%dma_start3A_76 : memref<10496xi32, #tpu.memory_space<hbm>>) target(%arg6 : memref<10496xi32, #tpu.memory_space<vmem>>) target_semaphore(%run_scoped3A_74 : memref<!tpu.dma_semaphore, #tpu.memory_space<semaphore_mem>>)
      %dma_wait3A = tpu.memref_slice %arg3[%mul3A_31] : memref<335872xi32, #tpu.memory_space<hbm>> -> memref<10496xi32, #tpu.memory_space<hbm>>
      %dma_wait3A_77 = tpu.memref_slice %arg3[%mul3A_31] : memref<335872xi32, #tpu.memory_space<hbm>> -> memref<10496xi32, #tpu.memory_space<hbm>>
      tpu.wait_dma2 semaphore(%run_scoped3A_74 : memref<!tpu.dma_semaphore, #tpu.memory_space<semaphore_mem>>) src(%dma_wait3A_77 : memref<10496xi32, #tpu.memory_space<hbm>>) dst(%arg6 : memref<10496xi32, #tpu.memory_space<vmem>>)
      tpu.yield
    }) : () -> ()
    %barrier3A = arith.constant 0 : index
    tpu.barrier barrier_id(%barrier3A)
    %mul3A_32 = arith.constant 10496 : i32
    %mul3A_33 = arith.muli %add3A, %mul3A_32 : i32
    %add3A_34 = arith.constant 0 : i32
    %add3A_35 = arith.addi %mul3A_33, %add3A_34 : i32
    %dma_start3A = tpu.memref_slice %arg4[%add3A_35] : memref<335872xi32, #tpu.memory_space<hbm>> -> memref<128xi32, #tpu.memory_space<hbm>>
    %dma_start3A_36 = tpu.memref_slice %arg4[%add3A_35] : memref<335872xi32, #tpu.memory_space<hbm>> -> memref<128xi32, #tpu.memory_space<hbm>>
    tpu.enqueue_dma source(%dma_start3A_36 : memref<128xi32, #tpu.memory_space<hbm>>) target(%arg7 : memref<128xi32, #tpu.memory_space<vmem>>) target_semaphore(%arg13 : memref<!tpu.dma_semaphore, #tpu.memory_space<semaphore_mem>>)
    %dma_start3A_37 = arith.constant 0 : i32
    %dma_start3A_38 = arith.constant 0 : i32
    %dma_start3A_39 = arith.constant 0 : i32
    %dma_start3A_40 = tpu.memref_slice %arg9[%dma_start3A_37, %dma_start3A_38, %dma_start3A_39] : memref<2x128x128xf32, #tpu.memory_space<vmem>> -> memref<1x128x128xf32, #tpu.memory_space<vmem>>
    %dma_start3A_41 = tpu.memref_squeeze %dma_start3A_40 : memref<1x128x128xf32, #tpu.memory_space<vmem>> -> memref<128x128xf32, #tpu.memory_space<vmem>>
    %dma_start3A_42 = arith.constant 0 : i32
    %dma_start3A_43 = tpu.memref_slice %arg6[%dma_start3A_42] : memref<10496xi32, #tpu.memory_space<vmem>> -> memref<128xi32, #tpu.memory_space<vmem>>
    %dma_start3A_44 = arith.constant 0 : i32
    %dma_start3A_45 = arith.constant 0 : i32
    %dma_start3A_46 = tpu.memref_slice %arg2[%dma_start3A_44, %dma_start3A_45] : memref<10240x128xf32, #tpu.memory_space<hbm>> -> memref<10240x128xf32, #tpu.memory_space<hbm>>
    tpu.enqueue_indirect_dma source(%dma_start3A_46 : memref<10240x128xf32, #tpu.memory_space<hbm>>) target(%dma_start3A_41 : memref<128x128xf32, #tpu.memory_space<vmem>>) offsets(%dma_start3A_43 : memref<128xi32, #tpu.memory_space<vmem>>) semaphore(%arg11 : memref<!tpu.dma_semaphore, #tpu.memory_space<semaphore_mem>>)
    %mul3A_47 = arith.constant 10496 : i32
    %mul3A_48 = arith.muli %add3A, %mul3A_47 : i32
    %add3A_49 = arith.constant 128 : i32
    %add3A_50 = arith.addi %mul3A_48, %add3A_49 : i32
    %dma_start3A_51 = tpu.memref_slice %arg4[%add3A_50] : memref<335872xi32, #tpu.memory_space<hbm>> -> memref<128xi32, #tpu.memory_space<hbm>>
    %dma_start3A_52 = tpu.memref_slice %arg4[%add3A_50] : memref<335872xi32, #tpu.memory_space<hbm>> -> memref<128xi32, #tpu.memory_space<hbm>>
    tpu.enqueue_dma source(%dma_start3A_52 : memref<128xi32, #tpu.memory_space<hbm>>) target(%arg8 : memref<128xi32, #tpu.memory_space<vmem>>) target_semaphore(%arg14 : memref<!tpu.dma_semaphore, #tpu.memory_space<semaphore_mem>>)
    %dma_start3A_53 = arith.constant 1 : i32
    %dma_start3A_54 = arith.constant 0 : i32
    %dma_start3A_55 = arith.constant 0 : i32
    %dma_start3A_56 = tpu.memref_slice %arg9[%dma_start3A_53, %dma_start3A_54, %dma_start3A_55] : memref<2x128x128xf32, #tpu.memory_space<vmem>> -> memref<1x128x128xf32, #tpu.memory_space<vmem>>
    %dma_start3A_57 = tpu.memref_squeeze %dma_start3A_56 : memref<1x128x128xf32, #tpu.memory_space<vmem>> -> memref<128x128xf32, #tpu.memory_space<vmem>>
    %dma_start3A_58 = arith.constant 128 : i32
    %dma_start3A_59 = tpu.memref_slice %arg6[%dma_start3A_58] : memref<10496xi32, #tpu.memory_space<vmem>> -> memref<128xi32, #tpu.memory_space<vmem>>
    %dma_start3A_60 = arith.constant 0 : i32
    %dma_start3A_61 = arith.constant 0 : i32
    %dma_start3A_62 = tpu.memref_slice %arg2[%dma_start3A_60, %dma_start3A_61] : memref<10240x128xf32, #tpu.memory_space<hbm>> -> memref<10240x128xf32, #tpu.memory_space<hbm>>
    tpu.enqueue_indirect_dma source(%dma_start3A_62 : memref<10240x128xf32, #tpu.memory_space<hbm>>) target(%dma_start3A_57 : memref<128x128xf32, #tpu.memory_space<vmem>>) offsets(%dma_start3A_59 : memref<128xi32, #tpu.memory_space<vmem>>) semaphore(%arg12 : memref<!tpu.dma_semaphore, #tpu.memory_space<semaphore_mem>>)
    %scan3A_63 = arith.constant 0 : i32
    %scan3A_64 = arith.constant 0 : i32
    %scan3A_65 = arith.constant 41 : i32
    %scan3A_66 = arith.addi %scan3A_64, %scan3A_65 : i32
    %scan3A_67 = arith.constant 1 : i32
    scf.for %scan3A_74 = %scan3A_64 to %scan3A_66 step %scan3A_67  : i32 {
      %mul3A_75 = arith.constant 2 : i32
      %mul3A_76 = arith.muli %scan3A_74, %mul3A_75 : i32
      %add3A_77 = arith.constant 0 : i32
      %add3A_78 = arith.addi %mul3A_76, %add3A_77 : i32
      %mul3A_79 = arith.constant 10496 : i32
      %mul3A_80 = arith.muli %add3A, %mul3A_79 : i32
      %mul3A_81 = arith.constant 128 : i32
      %mul3A_82 = arith.muli %add3A_78, %mul3A_81 : i32
      %add3A_83 = arith.addi %mul3A_80, %mul3A_82 : i32
      %dma_wait3A = tpu.memref_slice %arg4[%add3A_83] : memref<335872xi32, #tpu.memory_space<hbm>> -> memref<128xi32, #tpu.memory_space<hbm>>
      %dma_wait3A_84 = tpu.memref_slice %arg4[%add3A_83] : memref<335872xi32, #tpu.memory_space<hbm>> -> memref<128xi32, #tpu.memory_space<hbm>>
      tpu.wait_dma2 semaphore(%arg13 : memref<!tpu.dma_semaphore, #tpu.memory_space<semaphore_mem>>) src(%dma_wait3A_84 : memref<128xi32, #tpu.memory_space<hbm>>) dst(%arg7 : memref<128xi32, #tpu.memory_space<vmem>>)
      %mul3A_85 = arith.constant 128 : i32
      %mul3A_86 = arith.muli %add3A_78, %mul3A_85 : i32
      %dma_wait3A_87 = arith.constant 0 : i32
      %dma_wait3A_88 = arith.constant 0 : i32
      %dma_wait3A_89 = arith.constant 0 : i32
      %dma_wait3A_90 = tpu.memref_slice %arg9[%dma_wait3A_87, %dma_wait3A_88, %dma_wait3A_89] : memref<2x128x128xf32, #tpu.memory_space<vmem>> -> memref<1x128x128xf32, #tpu.memory_space<vmem>>
      %dma_wait3A_91 = tpu.memref_squeeze %dma_wait3A_90 : memref<1x128x128xf32, #tpu.memory_space<vmem>> -> memref<128x128xf32, #tpu.memory_space<vmem>>
      %dma_wait3A_92 = tpu.memref_slice %arg6[%mul3A_86] : memref<10496xi32, #tpu.memory_space<vmem>> -> memref<128xi32, #tpu.memory_space<vmem>>
      %dma_wait3A_93 = arith.constant 0 : i32
      %dma_wait3A_94 = arith.constant 0 : i32
      %dma_wait3A_95 = tpu.memref_slice %arg2[%dma_wait3A_93, %dma_wait3A_94] : memref<10240x128xf32, #tpu.memory_space<hbm>> -> memref<10240x128xf32, #tpu.memory_space<hbm>>
      tpu.wait_indirect_dma semaphore(%arg11 : memref<!tpu.dma_semaphore, #tpu.memory_space<semaphore_mem>>) src(%dma_wait3A_95 : memref<10240x128xf32, #tpu.memory_space<hbm>>) dst(%dma_wait3A_91 : memref<128x128xf32, #tpu.memory_space<vmem>>)
      %run_scoped3A_96 = arith.constant 0 : i32
      "tpu.region"() ({
        %run_scoped3A_127 = tpu.sem_alloc : memref<!tpu.dma_semaphore, #tpu.memory_space<semaphore_mem>>
        %dma_start3A_128 = arith.constant 0 : i32
        %dma_start3A_129 = arith.constant 0 : i32
        %dma_start3A_130 = tpu.memref_slice %arg9[%run_scoped3A_96, %dma_start3A_128, %dma_start3A_129] : memref<2x128x128xf32, #tpu.memory_space<vmem>> -> memref<1x128x128xf32, #tpu.memory_space<vmem>>
        %dma_start3A_131 = tpu.memref_squeeze %dma_start3A_130 : memref<1x128x128xf32, #tpu.memory_space<vmem>> -> memref<128x128xf32, #tpu.memory_space<vmem>>
        %dma_start3A_132 = arith.constant 0 : i32
        %dma_start3A_133 = arith.constant 0 : i32
        %dma_start3A_134 = tpu.memref_slice %arg10[%dma_start3A_132, %dma_start3A_133] : memref<10240x128xf32, #tpu.memory_space<vmem_shared>> -> memref<10240x128xf32, #tpu.memory_space<vmem_shared>>
        tpu.enqueue_indirect_dma source(%dma_start3A_131 : memref<128x128xf32, #tpu.memory_space<vmem>>) target(%dma_start3A_134 : memref<10240x128xf32, #tpu.memory_space<vmem_shared>>) offsets(%arg7 : memref<128xi32, #tpu.memory_space<vmem>>) semaphore(%run_scoped3A_127 : memref<!tpu.dma_semaphore, #tpu.memory_space<semaphore_mem>>) {add = true}
        %dma_wait3A_135 = arith.constant 0 : i32
        %dma_wait3A_136 = arith.constant 0 : i32
        %dma_wait3A_137 = tpu.memref_slice %arg9[%run_scoped3A_96, %dma_wait3A_135, %dma_wait3A_136] : memref<2x128x128xf32, #tpu.memory_space<vmem>> -> memref<1x128x128xf32, #tpu.memory_space<vmem>>
        %dma_wait3A_138 = tpu.memref_squeeze %dma_wait3A_137 : memref<1x128x128xf32, #tpu.memory_space<vmem>> -> memref<128x128xf32, #tpu.memory_space<vmem>>
        %dma_wait3A_139 = arith.constant 0 : i32
        %dma_wait3A_140 = arith.constant 0 : i32
        %dma_wait3A_141 = tpu.memref_slice %arg10[%dma_wait3A_139, %dma_wait3A_140] : memref<10240x128xf32, #tpu.memory_space<vmem_shared>> -> memref<10240x128xf32, #tpu.memory_space<vmem_shared>>
        tpu.wait_indirect_dma semaphore(%run_scoped3A_127 : memref<!tpu.dma_semaphore, #tpu.memory_space<semaphore_mem>>) src(%dma_wait3A_138 : memref<128x128xf32, #tpu.memory_space<vmem>>) dst(%dma_wait3A_141 : memref<10240x128xf32, #tpu.memory_space<vmem_shared>>)
        tpu.yield
      }) : () -> ()
      %lt3A = arith.constant 40 : i32
      %lt3A_97 = arith.cmpi slt, %scan3A_74, %lt3A : i32
      %convert_element_type3A = arith.extui %lt3A_97 : i1 to i32
      %cond3A = arith.constant 0 : i32
      %cond3A_98 = arith.cmpi ne, %convert_element_type3A, %cond3A : i32
      scf.if %cond3A_98 {
        %mul3A_127 = arith.constant 10496 : i32
        %mul3A_128 = arith.muli %add3A, %mul3A_127 : i32
        %add3A_129 = arith.constant 2 : i32
        %add3A_130 = arith.addi %add3A_78, %add3A_129 : i32
        %mul3A_131 = arith.constant 128 : i32
        %mul3A_132 = arith.muli %add3A_130, %mul3A_131 : i32
        %add3A_133 = arith.addi %mul3A_128, %mul3A_132 : i32
        %dma_start3A_134 = tpu.memref_slice %arg4[%add3A_133] : memref<335872xi32, #tpu.memory_space<hbm>> -> memref<128xi32, #tpu.memory_space<hbm>>
        %dma_start3A_135 = tpu.memref_slice %arg4[%add3A_133] : memref<335872xi32, #tpu.memory_space<hbm>> -> memref<128xi32, #tpu.memory_space<hbm>>
        tpu.enqueue_dma source(%dma_start3A_135 : memref<128xi32, #tpu.memory_space<hbm>>) target(%arg7 : memref<128xi32, #tpu.memory_space<vmem>>) target_semaphore(%arg13 : memref<!tpu.dma_semaphore, #tpu.memory_space<semaphore_mem>>)
        %add3A_136 = arith.constant 2 : i32
        %add3A_137 = arith.addi %add3A_78, %add3A_136 : i32
        %mul3A_138 = arith.constant 128 : i32
        %mul3A_139 = arith.muli %add3A_137, %mul3A_138 : i32
        %dma_start3A_140 = arith.constant 0 : i32
        %dma_start3A_141 = arith.constant 0 : i32
        %dma_start3A_142 = arith.constant 0 : i32
        %dma_start3A_143 = tpu.memref_slice %arg9[%dma_start3A_140, %dma_start3A_141, %dma_start3A_142] : memref<2x128x128xf32, #tpu.memory_space<vmem>> -> memref<1x128x128xf32, #tpu.memory_space<vmem>>
        %dma_start3A_144 = tpu.memref_squeeze %dma_start3A_143 : memref<1x128x128xf32, #tpu.memory_space<vmem>> -> memref<128x128xf32, #tpu.memory_space<vmem>>
        %dma_start3A_145 = tpu.memref_slice %arg6[%mul3A_139] : memref<10496xi32, #tpu.memory_space<vmem>> -> memref<128xi32, #tpu.memory_space<vmem>>
        %dma_start3A_146 = arith.constant 0 : i32
        %dma_start3A_147 = arith.constant 0 : i32
        %dma_start3A_148 = tpu.memref_slice %arg2[%dma_start3A_146, %dma_start3A_147] : memref<10240x128xf32, #tpu.memory_space<hbm>> -> memref<10240x128xf32, #tpu.memory_space<hbm>>
        tpu.enqueue_indirect_dma source(%dma_start3A_148 : memref<10240x128xf32, #tpu.memory_space<hbm>>) target(%dma_start3A_144 : memref<128x128xf32, #tpu.memory_space<vmem>>) offsets(%dma_start3A_145 : memref<128xi32, #tpu.memory_space<vmem>>) semaphore(%arg11 : memref<!tpu.dma_semaphore, #tpu.memory_space<semaphore_mem>>)
      } else {
      }
      %mul3A_99 = arith.constant 2 : i32
      %mul3A_100 = arith.muli %scan3A_74, %mul3A_99 : i32
      %add3A_101 = arith.constant 1 : i32
      %add3A_102 = arith.addi %mul3A_100, %add3A_101 : i32
      %mul3A_103 = arith.constant 10496 : i32
      %mul3A_104 = arith.muli %add3A, %mul3A_103 : i32
      %mul3A_105 = arith.constant 128 : i32
      %mul3A_106 = arith.muli %add3A_102, %mul3A_105 : i32
      %add3A_107 = arith.addi %mul3A_104, %mul3A_106 : i32
      %dma_wait3A_108 = tpu.memref_slice %arg4[%add3A_107] : memref<335872xi32, #tpu.memory_space<hbm>> -> memref<128xi32, #tpu.memory_space<hbm>>
      %dma_wait3A_109 = tpu.memref_slice %arg4[%add3A_107] : memref<335872xi32, #tpu.memory_space<hbm>> -> memref<128xi32, #tpu.memory_space<hbm>>
      tpu.wait_dma2 semaphore(%arg14 : memref<!tpu.dma_semaphore, #tpu.memory_space<semaphore_mem>>) src(%dma_wait3A_109 : memref<128xi32, #tpu.memory_space<hbm>>) dst(%arg8 : memref<128xi32, #tpu.memory_space<vmem>>)
      %mul3A_110 = arith.constant 128 : i32
      %mul3A_111 = arith.muli %add3A_102, %mul3A_110 : i32
      %dma_wait3A_112 = arith.constant 1 : i32
      %dma_wait3A_113 = arith.constant 0 : i32
      %dma_wait3A_114 = arith.constant 0 : i32
      %dma_wait3A_115 = tpu.memref_slice %arg9[%dma_wait3A_112, %dma_wait3A_113, %dma_wait3A_114] : memref<2x128x128xf32, #tpu.memory_space<vmem>> -> memref<1x128x128xf32, #tpu.memory_space<vmem>>
      %dma_wait3A_116 = tpu.memref_squeeze %dma_wait3A_115 : memref<1x128x128xf32, #tpu.memory_space<vmem>> -> memref<128x128xf32, #tpu.memory_space<vmem>>
      %dma_wait3A_117 = tpu.memref_slice %arg6[%mul3A_111] : memref<10496xi32, #tpu.memory_space<vmem>> -> memref<128xi32, #tpu.memory_space<vmem>>
      %dma_wait3A_118 = arith.constant 0 : i32
      %dma_wait3A_119 = arith.constant 0 : i32
      %dma_wait3A_120 = tpu.memref_slice %arg2[%dma_wait3A_118, %dma_wait3A_119] : memref<10240x128xf32, #tpu.memory_space<hbm>> -> memref<10240x128xf32, #tpu.memory_space<hbm>>
      tpu.wait_indirect_dma semaphore(%arg12 : memref<!tpu.dma_semaphore, #tpu.memory_space<semaphore_mem>>) src(%dma_wait3A_120 : memref<10240x128xf32, #tpu.memory_space<hbm>>) dst(%dma_wait3A_116 : memref<128x128xf32, #tpu.memory_space<vmem>>)
      %run_scoped3A_121 = arith.constant 1 : i32
      "tpu.region"() ({
        %run_scoped3A_127 = tpu.sem_alloc : memref<!tpu.dma_semaphore, #tpu.memory_space<semaphore_mem>>
        %dma_start3A_128 = arith.constant 0 : i32
        %dma_start3A_129 = arith.constant 0 : i32
        %dma_start3A_130 = tpu.memref_slice %arg9[%run_scoped3A_121, %dma_start3A_128, %dma_start3A_129] : memref<2x128x128xf32, #tpu.memory_space<vmem>> -> memref<1x128x128xf32, #tpu.memory_space<vmem>>
        %dma_start3A_131 = tpu.memref_squeeze %dma_start3A_130 : memref<1x128x128xf32, #tpu.memory_space<vmem>> -> memref<128x128xf32, #tpu.memory_space<vmem>>
        %dma_start3A_132 = arith.constant 0 : i32
        %dma_start3A_133 = arith.constant 0 : i32
        %dma_start3A_134 = tpu.memref_slice %arg10[%dma_start3A_132, %dma_start3A_133] : memref<10240x128xf32, #tpu.memory_space<vmem_shared>> -> memref<10240x128xf32, #tpu.memory_space<vmem_shared>>
        tpu.enqueue_indirect_dma source(%dma_start3A_131 : memref<128x128xf32, #tpu.memory_space<vmem>>) target(%dma_start3A_134 : memref<10240x128xf32, #tpu.memory_space<vmem_shared>>) offsets(%arg8 : memref<128xi32, #tpu.memory_space<vmem>>) semaphore(%run_scoped3A_127 : memref<!tpu.dma_semaphore, #tpu.memory_space<semaphore_mem>>) {add = true}
        %dma_wait3A_135 = arith.constant 0 : i32
        %dma_wait3A_136 = arith.constant 0 : i32
        %dma_wait3A_137 = tpu.memref_slice %arg9[%run_scoped3A_121, %dma_wait3A_135, %dma_wait3A_136] : memref<2x128x128xf32, #tpu.memory_space<vmem>> -> memref<1x128x128xf32, #tpu.memory_space<vmem>>
        %dma_wait3A_138 = tpu.memref_squeeze %dma_wait3A_137 : memref<1x128x128xf32, #tpu.memory_space<vmem>> -> memref<128x128xf32, #tpu.memory_space<vmem>>
        %dma_wait3A_139 = arith.constant 0 : i32
        %dma_wait3A_140 = arith.constant 0 : i32
        %dma_wait3A_141 = tpu.memref_slice %arg10[%dma_wait3A_139, %dma_wait3A_140] : memref<10240x128xf32, #tpu.memory_space<vmem_shared>> -> memref<10240x128xf32, #tpu.memory_space<vmem_shared>>
        tpu.wait_indirect_dma semaphore(%run_scoped3A_127 : memref<!tpu.dma_semaphore, #tpu.memory_space<semaphore_mem>>) src(%dma_wait3A_138 : memref<128x128xf32, #tpu.memory_space<vmem>>) dst(%dma_wait3A_141 : memref<10240x128xf32, #tpu.memory_space<vmem_shared>>)
        tpu.yield
      }) : () -> ()
      %lt3A_122 = arith.constant 40 : i32
      %lt3A_123 = arith.cmpi slt, %scan3A_74, %lt3A_122 : i32
      %convert_element_type3A_124 = arith.extui %lt3A_123 : i1 to i32
      %cond3A_125 = arith.constant 0 : i32
      %cond3A_126 = arith.cmpi ne, %convert_element_type3A_124, %cond3A_125 : i32
      scf.if %cond3A_126 {
        %mul3A_127 = arith.constant 10496 : i32
        %mul3A_128 = arith.muli %add3A, %mul3A_127 : i32
        %add3A_129 = arith.constant 2 : i32
        %add3A_130 = arith.addi %add3A_102, %add3A_129 : i32
        %mul3A_131 = arith.constant 128 : i32
        %mul3A_132 = arith.muli %add3A_130, %mul3A_131 : i32
        %add3A_133 = arith.addi %mul3A_128, %mul3A_132 : i32
        %dma_start3A_134 = tpu.memref_slice %arg4[%add3A_133] : memref<335872xi32, #tpu.memory_space<hbm>> -> memref<128xi32, #tpu.memory_space<hbm>>
        %dma_start3A_135 = tpu.memref_slice %arg4[%add3A_133] : memref<335872xi32, #tpu.memory_space<hbm>> -> memref<128xi32, #tpu.memory_space<hbm>>
        tpu.enqueue_dma source(%dma_start3A_135 : memref<128xi32, #tpu.memory_space<hbm>>) target(%arg8 : memref<128xi32, #tpu.memory_space<vmem>>) target_semaphore(%arg14 : memref<!tpu.dma_semaphore, #tpu.memory_space<semaphore_mem>>)
        %add3A_136 = arith.constant 2 : i32
        %add3A_137 = arith.addi %add3A_102, %add3A_136 : i32
        %mul3A_138 = arith.constant 128 : i32
        %mul3A_139 = arith.muli %add3A_137, %mul3A_138 : i32
        %dma_start3A_140 = arith.constant 1 : i32
        %dma_start3A_141 = arith.constant 0 : i32
        %dma_start3A_142 = arith.constant 0 : i32
        %dma_start3A_143 = tpu.memref_slice %arg9[%dma_start3A_140, %dma_start3A_141, %dma_start3A_142] : memref<2x128x128xf32, #tpu.memory_space<vmem>> -> memref<1x128x128xf32, #tpu.memory_space<vmem>>
        %dma_start3A_144 = tpu.memref_squeeze %dma_start3A_143 : memref<1x128x128xf32, #tpu.memory_space<vmem>> -> memref<128x128xf32, #tpu.memory_space<vmem>>
        %dma_start3A_145 = tpu.memref_slice %arg6[%mul3A_139] : memref<10496xi32, #tpu.memory_space<vmem>> -> memref<128xi32, #tpu.memory_space<vmem>>
        %dma_start3A_146 = arith.constant 0 : i32
        %dma_start3A_147 = arith.constant 0 : i32
        %dma_start3A_148 = tpu.memref_slice %arg2[%dma_start3A_146, %dma_start3A_147] : memref<10240x128xf32, #tpu.memory_space<hbm>> -> memref<10240x128xf32, #tpu.memory_space<hbm>>
        tpu.enqueue_indirect_dma source(%dma_start3A_148 : memref<10240x128xf32, #tpu.memory_space<hbm>>) target(%dma_start3A_144 : memref<128x128xf32, #tpu.memory_space<vmem>>) offsets(%dma_start3A_145 : memref<128xi32, #tpu.memory_space<vmem>>) semaphore(%arg12 : memref<!tpu.dma_semaphore, #tpu.memory_space<semaphore_mem>>)
      } else {
      }
    }
    %scan3A_68 = arith.constant 41 : i32
    %barrier3A_69 = arith.constant 0 : index
    tpu.barrier barrier_id(%barrier3A_69)
    %mul3A_70 = arith.constant 640 : i32
    %mul3A_71 = arith.muli %arg1, %mul3A_70 : i32
    %mul3A_72 = arith.constant 640 : i32
    %mul3A_73 = arith.muli %arg1, %mul3A_72 : i32
    "tpu.region"() ({
      %run_scoped3A_74 = tpu.sem_alloc : memref<!tpu.dma_semaphore, #tpu.memory_space<semaphore_mem>>
      %dma_start3A_75 = arith.constant 0 : i32
      %dma_start3A_76 = tpu.memref_slice %arg5[%arg0, %mul3A_73, %dma_start3A_75] : memref<2x10240x128xf32, #tpu.memory_space<hbm>> -> memref<1x640x128xf32, #tpu.memory_space<hbm>>
      %dma_start3A_77 = tpu.memref_squeeze %dma_start3A_76 : memref<1x640x128xf32, #tpu.memory_space<hbm>> -> memref<640x128xf32, #tpu.memory_space<hbm>>
      %dma_start3A_78 = arith.constant 0 : i32
      %dma_start3A_79 = tpu.memref_slice %arg10[%mul3A_71, %dma_start3A_78] : memref<10240x128xf32, #tpu.memory_space<vmem_shared>> -> memref<640x128xf32, #tpu.memory_space<vmem_shared>>
      tpu.enqueue_dma source(%dma_start3A_79 : memref<640x128xf32, #tpu.memory_space<vmem_shared>>) target(%dma_start3A_77 : memref<640x128xf32, #tpu.memory_space<hbm>>) target_semaphore(%run_scoped3A_74 : memref<!tpu.dma_semaphore, #tpu.memory_space<semaphore_mem>>)
      %dma_wait3A = arith.constant 0 : i32
      %dma_wait3A_80 = tpu.memref_slice %arg5[%arg0, %mul3A_73, %dma_wait3A] : memref<2x10240x128xf32, #tpu.memory_space<hbm>> -> memref<1x640x128xf32, #tpu.memory_space<hbm>>
      %dma_wait3A_81 = tpu.memref_squeeze %dma_wait3A_80 : memref<1x640x128xf32, #tpu.memory_space<hbm>> -> memref<640x128xf32, #tpu.memory_space<hbm>>
      %dma_wait3A_82 = arith.constant 0 : i32
      %dma_wait3A_83 = tpu.memref_slice %arg10[%mul3A_71, %dma_wait3A_82] : memref<10240x128xf32, #tpu.memory_space<vmem_shared>> -> memref<640x128xf32, #tpu.memory_space<vmem_shared>>
      tpu.wait_dma2 semaphore(%run_scoped3A_74 : memref<!tpu.dma_semaphore, #tpu.memory_space<semaphore_mem>>) src(%dma_wait3A_83 : memref<640x128xf32, #tpu.memory_space<vmem_shared>>) dst(%dma_wait3A_81 : memref<640x128xf32, #tpu.memory_space<hbm>>)
      tpu.yield
    }) : () -> ()
    return
  }
}

module attributes {stable_mosaic.version = 14 : i64} {
  func.func @_scale_matmul_body(%arg0: i32, %arg1: memref<32x1280xf32, #tpu.memory_space<vmem>>, %arg2: memref<1280x128xf32, #tpu.memory_space<vmem>>, %arg3: memref<128x128xf32, #tpu.memory_space<vmem>>, %arg4: memref<1280x128xf32, #tpu.memory_space<vmem>>, %arg5: memref<1x1280xf32, #tpu.memory_space<vmem>>) attributes {dimension_semantics = [#tpu.dimension_semantics<arbitrary>], iteration_bounds = array<i64: 8>, scalar_prefetch = 0 : i64, scratch_operands = 0 : i64, tpu.core_type = #tpu.core_type<tc>, window_params = [{transform_indices = @transform_0, window_bounds = array<i64: 32, 1280>}, {transform_indices = @transform_1, window_bounds = array<i64: 1280, 128>}, {pipeline_mode = #tpu.pipeline_mode<synchronous>, transform_indices = @transform_2, window_bounds = array<i64: 128, 128>}, {transform_indices = @transform_3, window_bounds = array<i64: 1280, 128>}, {transform_indices = @transform_4, window_bounds = array<i64: 1, 1280>}]} {
    %get3A = arith.constant 0 : index
    %get3A_0 = arith.constant 0 : index
    %get3A_1 = vector.load %arg1[%get3A, %get3A_0] : memref<32x1280xf32, #tpu.memory_space<vmem>>, vector<32x1280xf32>
    %reduce_sum3A = arith.constant dense<0.000000e+00> : vector<1280xf32>
    %reduce_sum3A_2 = vector.multi_reduction <add>, %get3A_1, %reduce_sum3A [0] : vector<32x1280xf32> to vector<1280xf32>
    %gt3A = arith.constant 0.000000e+00 : f32
    %gt3A_3 = vector.broadcast %gt3A : f32 to vector<1280xf32>
    %gt3A_4 = arith.cmpf ogt, %reduce_sum3A_2, %gt3A_3 : vector<1280xf32>
    %rsqrt3A = math.rsqrt %reduce_sum3A_2 : vector<1280xf32>
    %jit3A = arith.constant 0.000000e+00 : f32
    %broadcast_in_dim3A = vector.broadcast %jit3A : f32 to vector<1280xf32>
    %select_n3A = arith.select %gt3A_4, %rsqrt3A, %broadcast_in_dim3A : vector<1280xi1>, vector<1280xf32>
    %broadcast_in_dim3A_5 = vector.shape_cast %select_n3A : vector<1280xf32> to vector<1x1280xf32>
    %swap3A = arith.constant 0 : index
    %swap3A_6 = arith.constant 0 : index
    %swap3A_7 = vector.load %arg5[%swap3A, %swap3A_6] : memref<1x1280xf32, #tpu.memory_space<vmem>>, vector<1x1280xf32>
    tpu.vector_store %arg5[%swap3A, %swap3A_6], %broadcast_in_dim3A_5 {strides = array<i32>} : memref<1x1280xf32, #tpu.memory_space<vmem>>, vector<1x1280xf32>,
    %get3A_8 = arith.constant 0 : index
    %get3A_9 = arith.constant 0 : index
    %get3A_10 = vector.load %arg2[%get3A_8, %get3A_9] : memref<1280x128xf32, #tpu.memory_space<vmem>>, vector<1280x128xf32>
    %get3A_11 = arith.constant 0 : index
    %get3A_12 = arith.constant 0 : index
    %get3A_13 = vector.load %arg3[%get3A_11, %get3A_12] : memref<128x128xf32, #tpu.memory_space<vmem>>, vector<128x128xf32>
    %dot_general3A = arith.constant dense<0.000000e+00> : vector<1280x128xf32>
    %dot_general3A_14 = tpu.matmul %get3A_10, %get3A_13, %dot_general3A {dimension_numbers = #tpu.dot_dimension_numbers<[1], [0], [0], [1], [0, 0, 1, 1], [], []>, transpose_lhs_hint = false} : vector<1280x128xf32>, vector<128x128xf32>, vector<1280x128xf32> -> vector<1280x128xf32>
    %broadcast_in_dim3A_15 = vector.shape_cast %select_n3A : vector<1280xf32> to vector<1280x1xf32>
    %mul3A = vector.broadcast %broadcast_in_dim3A_15 : vector<1280x1xf32> to vector<1280x128xf32>
    %mul3A_16 = arith.mulf %dot_general3A_14, %mul3A : vector<1280x128xf32>
    %swap3A_17 = arith.constant 0 : index
    %swap3A_18 = arith.constant 0 : index
    %swap3A_19 = vector.load %arg4[%swap3A_17, %swap3A_18] : memref<1280x128xf32, #tpu.memory_space<vmem>>, vector<1280x128xf32>
    tpu.vector_store %arg4[%swap3A_17, %swap3A_18], %mul3A_16 {strides = array<i32>} : memref<1280x128xf32, #tpu.memory_space<vmem>>, vector<1280x128xf32>,
    return
  }
  func.func @transform_0(%arg0: i32) -> (i32, i32) {
    %c0_i32 = arith.constant 0 : i32
    %c0_i32_0 = arith.constant 0 : i32
    return %c0_i32, %arg0 : i32, i32
  }
  func.func @transform_1(%arg0: i32) -> (i32, i32) {
    %c0_i32 = arith.constant 0 : i32
    %c0_i32_0 = arith.constant 0 : i32
    return %arg0, %c0_i32 : i32, i32
  }
  func.func @transform_2(%arg0: i32) -> (i32, i32) {
    %c0_i32 = arith.constant 0 : i32
    %c0_i32_0 = arith.constant 0 : i32
    %c0_i32_1 = arith.constant 0 : i32
    return %c0_i32, %c0_i32_0 : i32, i32
  }
  func.func @transform_3(%arg0: i32) -> (i32, i32) {
    %c0_i32 = arith.constant 0 : i32
    %c0_i32_0 = arith.constant 0 : i32
    return %arg0, %c0_i32 : i32, i32
  }
  func.func @transform_4(%arg0: i32) -> (i32, i32) {
    %c0_i32 = arith.constant 0 : i32
    %c0_i32_0 = arith.constant 0 : i32
    return %c0_i32, %arg0 : i32, i32
  }
}

module attributes {stable_mosaic.version = 14 : i64} {
  func.func @_mid_body(%arg0: i32, %arg1: memref<2x1280x128xf32, #tpu.memory_space<vmem>>, %arg2: memref<1x1280xf32, #tpu.memory_space<vmem>>, %arg3: memref<1x128xf32, #tpu.memory_space<vmem>>, %arg4: memref<128x64xf32, #tpu.memory_space<vmem>>, %arg5: memref<1280x64xf32, #tpu.memory_space<vmem>>) attributes {dimension_semantics = [#tpu.dimension_semantics<arbitrary>], iteration_bounds = array<i64: 8>, scalar_prefetch = 0 : i64, scratch_operands = 0 : i64, tpu.core_type = #tpu.core_type<tc>, window_params = [{transform_indices = @transform_0, window_bounds = array<i64: 2, 1280, 128>}, {transform_indices = @transform_1, window_bounds = array<i64: 1, 1280>}, {pipeline_mode = #tpu.pipeline_mode<synchronous>, transform_indices = @transform_2, window_bounds = array<i64: 1, 128>}, {pipeline_mode = #tpu.pipeline_mode<synchronous>, transform_indices = @transform_3, window_bounds = array<i64: 128, 64>}, {transform_indices = @transform_4, window_bounds = array<i64: 1280, 64>}]} {
    %get3A = arith.constant 0 : index
    %get3A_0 = arith.constant 0 : index
    %get3A_1 = arith.constant 0 : index
    %get3A_2 = vector.load %arg1[%get3A, %get3A_0, %get3A_1] : memref<2x1280x128xf32, #tpu.memory_space<vmem>>, vector<1x1280x128xf32>
    %get3A_3 = vector.shape_cast %get3A_2 : vector<1x1280x128xf32> to vector<1280x128xf32>
    %get3A_4 = arith.constant 1 : index
    %get3A_5 = arith.constant 0 : index
    %get3A_6 = arith.constant 0 : index
    %get3A_7 = vector.load %arg1[%get3A_4, %get3A_5, %get3A_6] : memref<2x1280x128xf32, #tpu.memory_space<vmem>>, vector<1x1280x128xf32>
    %get3A_8 = vector.shape_cast %get3A_7 : vector<1x1280x128xf32> to vector<1280x128xf32>
    %add3A = arith.addf %get3A_3, %get3A_8 : vector<1280x128xf32>
    %get3A_9 = arith.constant 0 : index
    %get3A_10 = arith.constant 0 : index
    %get3A_11 = vector.load %arg2[%get3A_9, %get3A_10] : memref<1x1280xf32, #tpu.memory_space<vmem>>, vector<1x1280xf32>
    %get3A_12 = vector.shape_cast %get3A_11 : vector<1x1280xf32> to vector<1280xf32>
    %broadcast_in_dim3A = vector.shape_cast %get3A_12 : vector<1280xf32> to vector<1280x1xf32>
    %mul3A = vector.broadcast %broadcast_in_dim3A : vector<1280x1xf32> to vector<1280x128xf32>
    %mul3A_13 = arith.mulf %mul3A, %add3A : vector<1280x128xf32>
    %get3A_14 = arith.constant 0 : index
    %get3A_15 = arith.constant 0 : index
    %get3A_16 = vector.load %arg3[%get3A_14, %get3A_15] : memref<1x128xf32, #tpu.memory_space<vmem>>, vector<1x128xf32>
    %add3A_17 = vector.broadcast %get3A_16 : vector<1x128xf32> to vector<1280x128xf32>
    %add3A_18 = arith.addf %mul3A_13, %add3A_17 : vector<1280x128xf32>
    %max3A = arith.constant 0.000000e+00 : f32
    %max3A_19 = vector.broadcast %max3A : f32 to vector<1280x128xf32>
    %max3A_20 = arith.maximumf %add3A_18, %max3A_19 : vector<1280x128xf32>
    %get3A_21 = arith.constant 0 : index
    %get3A_22 = arith.constant 0 : index
    %get3A_23 = vector.load %arg4[%get3A_21, %get3A_22] : memref<128x64xf32, #tpu.memory_space<vmem>>, vector<128x64xf32>
    %dot_general3A = arith.constant dense<0.000000e+00> : vector<1280x64xf32>
    %dot_general3A_24 = tpu.matmul %max3A_20, %get3A_23, %dot_general3A {dimension_numbers = #tpu.dot_dimension_numbers<[1], [0], [0], [1], [0, 0, 1, 1], [], []>, transpose_lhs_hint = false} : vector<1280x128xf32>, vector<128x64xf32>, vector<1280x64xf32> -> vector<1280x64xf32>
    %mul3A_25 = vector.broadcast %broadcast_in_dim3A : vector<1280x1xf32> to vector<1280x64xf32>
    %mul3A_26 = arith.mulf %dot_general3A_24, %mul3A_25 : vector<1280x64xf32>
    %swap3A = arith.constant 0 : index
    %swap3A_27 = arith.constant 0 : index
    %swap3A_28 = vector.load %arg5[%swap3A, %swap3A_27] : memref<1280x64xf32, #tpu.memory_space<vmem>>, vector<1280x64xf32>
    tpu.vector_store %arg5[%swap3A, %swap3A_27], %mul3A_26 {strides = array<i32>} : memref<1280x64xf32, #tpu.memory_space<vmem>>, vector<1280x64xf32>,
    return
  }
  func.func @transform_0(%arg0: i32) -> (i32, i32, i32) {
    %c0_i32 = arith.constant 0 : i32
    %c0_i32_0 = arith.constant 0 : i32
    %c0_i32_1 = arith.constant 0 : i32
    return %c0_i32, %arg0, %c0_i32_0 : i32, i32, i32
  }
  func.func @transform_1(%arg0: i32) -> (i32, i32) {
    %c0_i32 = arith.constant 0 : i32
    %c0_i32_0 = arith.constant 0 : i32
    return %c0_i32, %arg0 : i32, i32
  }
  func.func @transform_2(%arg0: i32) -> (i32, i32) {
    %c0_i32 = arith.constant 0 : i32
    %c0_i32_0 = arith.constant 0 : i32
    %c0_i32_1 = arith.constant 0 : i32
    return %c0_i32, %c0_i32_0 : i32, i32
  }
  func.func @transform_3(%arg0: i32) -> (i32, i32) {
    %c0_i32 = arith.constant 0 : i32
    %c0_i32_0 = arith.constant 0 : i32
    %c0_i32_1 = arith.constant 0 : i32
    return %c0_i32, %c0_i32_0 : i32, i32
  }
  func.func @transform_4(%arg0: i32) -> (i32, i32) {
    %c0_i32 = arith.constant 0 : i32
    %c0_i32_0 = arith.constant 0 : i32
    return %arg0, %c0_i32 : i32, i32
  }
}

module attributes {stable_mosaic.version = 14 : i64} {
  func.func @_out_body(%arg0: i32, %arg1: memref<2x1280x64xf32, #tpu.memory_space<vmem>>, %arg2: memref<1x1280xf32, #tpu.memory_space<vmem>>, %arg3: memref<1x64xf32, #tpu.memory_space<vmem>>, %arg4: memref<1280x64xf32, #tpu.memory_space<vmem>>) attributes {dimension_semantics = [#tpu.dimension_semantics<arbitrary>], iteration_bounds = array<i64: 8>, scalar_prefetch = 0 : i64, scratch_operands = 0 : i64, tpu.core_type = #tpu.core_type<tc>, window_params = [{transform_indices = @transform_0, window_bounds = array<i64: 2, 1280, 64>}, {transform_indices = @transform_1, window_bounds = array<i64: 1, 1280>}, {pipeline_mode = #tpu.pipeline_mode<synchronous>, transform_indices = @transform_2, window_bounds = array<i64: 1, 64>}, {transform_indices = @transform_3, window_bounds = array<i64: 1280, 64>}]} {
    %get3A = arith.constant 0 : index
    %get3A_0 = arith.constant 0 : index
    %get3A_1 = arith.constant 0 : index
    %get3A_2 = vector.load %arg1[%get3A, %get3A_0, %get3A_1] : memref<2x1280x64xf32, #tpu.memory_space<vmem>>, vector<1x1280x64xf32>
    %get3A_3 = vector.shape_cast %get3A_2 : vector<1x1280x64xf32> to vector<1280x64xf32>
    %get3A_4 = arith.constant 1 : index
    %get3A_5 = arith.constant 0 : index
    %get3A_6 = arith.constant 0 : index
    %get3A_7 = vector.load %arg1[%get3A_4, %get3A_5, %get3A_6] : memref<2x1280x64xf32, #tpu.memory_space<vmem>>, vector<1x1280x64xf32>
    %get3A_8 = vector.shape_cast %get3A_7 : vector<1x1280x64xf32> to vector<1280x64xf32>
    %add3A = arith.addf %get3A_3, %get3A_8 : vector<1280x64xf32>
    %get3A_9 = arith.constant 0 : index
    %get3A_10 = arith.constant 0 : index
    %get3A_11 = vector.load %arg2[%get3A_9, %get3A_10] : memref<1x1280xf32, #tpu.memory_space<vmem>>, vector<1x1280xf32>
    %get3A_12 = vector.shape_cast %get3A_11 : vector<1x1280xf32> to vector<1280xf32>
    %broadcast_in_dim3A = vector.shape_cast %get3A_12 : vector<1280xf32> to vector<1280x1xf32>
    %mul3A = vector.broadcast %broadcast_in_dim3A : vector<1280x1xf32> to vector<1280x64xf32>
    %mul3A_13 = arith.mulf %mul3A, %add3A : vector<1280x64xf32>
    %get3A_14 = arith.constant 0 : index
    %get3A_15 = arith.constant 0 : index
    %get3A_16 = vector.load %arg3[%get3A_14, %get3A_15] : memref<1x64xf32, #tpu.memory_space<vmem>>, vector<1x64xf32>
    %add3A_17 = vector.broadcast %get3A_16 : vector<1x64xf32> to vector<1280x64xf32>
    %add3A_18 = arith.addf %mul3A_13, %add3A_17 : vector<1280x64xf32>
    %reduce_max3A = arith.constant dense<0xFF800000> : vector<1280xf32>
    %reduce_max3A_19 = vector.multi_reduction <maximumf>, %add3A_18, %reduce_max3A [1] : vector<1280x64xf32> to vector<1280xf32>
    %broadcast_in_dim3A_20 = vector.shape_cast %reduce_max3A_19 : vector<1280xf32> to vector<1280x1xf32>
    %sub3A = vector.broadcast %broadcast_in_dim3A_20 : vector<1280x1xf32> to vector<1280x64xf32>
    %sub3A_21 = arith.subf %add3A_18, %sub3A : vector<1280x64xf32>
    %exp3A = math.exp %sub3A_21 : vector<1280x64xf32>
    %sub3A_22 = vector.broadcast %broadcast_in_dim3A_20 : vector<1280x1xf32> to vector<1280x64xf32>
    %sub3A_23 = arith.subf %add3A_18, %sub3A_22 : vector<1280x64xf32>
    %reduce_sum3A = arith.constant dense<0.000000e+00> : vector<1280xf32>
    %reduce_sum3A_24 = vector.multi_reduction <add>, %exp3A, %reduce_sum3A [1] : vector<1280x64xf32> to vector<1280xf32>
    %broadcast_in_dim3A_25 = vector.shape_cast %reduce_sum3A_24 : vector<1280xf32> to vector<1280x1xf32>
    %log3A = math.log %broadcast_in_dim3A_25 : vector<1280x1xf32>
    %sub3A_26 = vector.broadcast %log3A : vector<1280x1xf32> to vector<1280x64xf32>
    %sub3A_27 = arith.subf %sub3A_23, %sub3A_26 : vector<1280x64xf32>
    %swap3A = arith.constant 0 : index
    %swap3A_28 = arith.constant 0 : index
    %swap3A_29 = vector.load %arg4[%swap3A, %swap3A_28] : memref<1280x64xf32, #tpu.memory_space<vmem>>, vector<1280x64xf32>
    tpu.vector_store %arg4[%swap3A, %swap3A_28], %sub3A_27 {strides = array<i32>} : memref<1280x64xf32, #tpu.memory_space<vmem>>, vector<1280x64xf32>,
    return
  }
  func.func @transform_0(%arg0: i32) -> (i32, i32, i32) {
    %c0_i32 = arith.constant 0 : i32
    %c0_i32_0 = arith.constant 0 : i32
    %c0_i32_1 = arith.constant 0 : i32
    return %c0_i32, %arg0, %c0_i32_0 : i32, i32, i32
  }
  func.func @transform_1(%arg0: i32) -> (i32, i32) {
    %c0_i32 = arith.constant 0 : i32
    %c0_i32_0 = arith.constant 0 : i32
    return %c0_i32, %arg0 : i32, i32
  }
  func.func @transform_2(%arg0: i32) -> (i32, i32) {
    %c0_i32 = arith.constant 0 : i32
    %c0_i32_0 = arith.constant 0 : i32
    %c0_i32_1 = arith.constant 0 : i32
    return %c0_i32, %c0_i32_0 : i32, i32
  }
  func.func @transform_3(%arg0: i32) -> (i32, i32) {
    %c0_i32 = arith.constant 0 : i32
    %c0_i32_0 = arith.constant 0 : i32
    return %arg0, %c0_i32 : i32, i32
  }
}

</mosaic_0001>

<sc_bundles>
// kernel: kernel.11.cloned.1.call-start
scs
__scs_entry_jumppad:
0x0: {  	(pc) =	sbr.rel $0x88, $3  }
0x1: {  	(tag) =	ssettag $0x0;
	lr =	simm.s32 $0x1  }
0x2: {  	[smem:$0x3F9B] =	sst lr;
	_ =	strace $0xD0000000  }
0x3: {  	_ = 	snop  }
0x4: {  	_ = 	snop  }
0x5: {  	_ = 	snop  }
0x6: {  	_ = 	snop  }
0x7: {  	_ = 	snop  }
__scs_overlays_trampoline_lowered:
0x8: {  	[smem:$0x3FAA] =	sst s0  }
0x9: {  	[smem:$0x3FAB] =	sst s1  }
0xa: {  	[smem:$0x3FAC] =	sst s2  }
0xb: {  	[smem:$0x3FAD] =	sst s3  }
0xc: {  	[smem:$0x3FAE] =	sst s4  }
0xd: {  	[smem:$0x3FAF] =	sst s5  }
0xe: {  	[smem:$0x3FB0] =	sst s6  }
0xf: {  	[smem:$0x3FB1] =	sst s7  }
0x10: {  	[smem:$0x3FB2] =	sst s8  }
0x11: {  	[smem:$0x3FB3] =	sst s9;
	s0 =	simm.s32 @!p0 $0x0  }
0x12: {  	s1 =	sld [smem:$0x3F99];
	s0 =	simm.s32 @p0 $0x1  }
0x13: {  	[smem:$0x3FB4] =	sst s0;
	s0 =	simm.s32 @!p1 $0x0  }
0x14: {  	s2 =	sld [smem:$0x3F98];
	s0 =	simm.s32 @p1 $0x1  }
0x15: {  	[smem:$0x3FB5] =	sst s0;
	s0 =	simm.s32 @!p2 $0x0  }
0x16: {  	s3 =	sld [smem:$0x3FDB];
	s0 =	simm.s32 @p2 $0x1  }
0x17: {  	s4 =	simm.s32 $0x1BF5;
	[smem:$0x3FB7] =	sst s0  }
0x18: {  	s0 =	sld [smem:$0x3F9A];
	_ =	swait.ge [sflag:s4], $0x0  }
0x19: {  	s7 =	sld [smem:$0x3F9B]  }
0x1a: {  	s8 =	sadd.s32 $0xFFFFE003, lr  }
0x1b: {  	s9 =	sadd.s32 $0xFFFFFEF7, lr;
	s5 =	simm.s32 $0xFFFFFFFF;
	p2 =	slt.u32 s8, $0xFFFFF086  }
0x1c: {  	p1 =	slt.u32 s9, $0xF7A;
	s5 =	simm.s32 @!p2 $0x0  }
0x1d: {  	s5 =	simm.s32 @p1 $0x1;
	p0 =	seq.s32 s7, s2  }
0x1e: {  	s7 =	smul.u32 @!p0 $0xF7A, s2;
	p2 =	seq.s32 @!p0 s5, $0x0  }
0x1f: {  	s9 =	smul.u32 $0xF7A, s1;
	s8 =	simm.s32 @!p0 $0x1BF5;
	p2 =	por !p2, p0  }
0x20: {  	[sflag:s8] =	ssyncset.s32 @!p0 $0xFFFFF086;
	s6 =	sadd.s32 @!p0 s3, s7;
	s7 =	simm.s32 @!p0 $0x108  }
0x21: {  	s3 =	sadd.s32 s3, s9;
	s6 =	sadd.s32 @!p0 $0x88, s6;
	s7 =	simm.s32 @p2 $0x1082  }
0x22: {  	[simem:s7], [sflag:s8] =	dma.local @!p0 [hbm:s6], $0xF7A  }
0x23: {  	s9 =	sor.u32 $0xD0000000, s2;
	s6 =	simm.s32 $0x108;
	_ =	swait.ge @!p0 [sflag:s8], $0x0  }
0x24: {  	s3 =	sadd.s32 $0x88, s3;
	s6 =	simm.s32 @!p1 $0x1082;
	[sflag:s4] =	ssyncset.s32 $0xFFFFF086  }
0x25: {  	[simem:s6], [sflag:s4] =	dma.local [hbm:s3], $0xF7A  }
0x26: {  	[smem:$0x3F9B] =	sst s1;
	(tag) =	ssettag s2;
	_ =	strace s9  }
0x27: {  	s1 =	sld [smem:$0x3FAB]  }
0x28: {  	s2 =	sld [smem:$0x3FAC]  }
0x29: {  	s4 =	sld [smem:$0x3FAE]  }
0x2a: {  	p0 =	seq.s32 s5, $0x0;
	s5 =	sld [smem:$0x3FAF]  }
0x2b: {  	s6 =	sld [smem:$0x3FB0]  }
0x2c: {  	s7 =	sld [smem:$0x3FB1]  }
0x2d: {  	s3 =	simm.s32 $0x108;
	s8 =	sld [smem:$0x3FB2]  }
0x2e: {  	s3 =	simm.s32 @!p0 $0x1082;
	s9 =	sld [smem:$0x3FB3]  }
0x2f: {  	lr =	sadd.s32 s0, s3;
	s0 =	sld [smem:$0x3FAA]  }
0x30: {  	s3 =	sld [smem:$0x3FAD]  }
0x31: {  	[smem:$0x3FB6] =	sst s10  }
0x32: {  	s10 =	sld [smem:$0x3FB4];
	_ =	sdelay $0x3  }
0x33: {  	p0 =	seq.s32 s10, $0x1;
	s10 =	sld [smem:$0x3FB6];
	_ =	sdelay $0x3  }
0x34: {  	[smem:$0x3FB6] =	sst s10  }
0x35: {  	s10 =	sld [smem:$0x3FB5];
	_ =	sdelay $0x3  }
0x36: {  	p1 =	seq.s32 s10, $0x1;
	s10 =	sld [smem:$0x3FB6];
	_ =	sdelay $0x3  }
0x37: {  	[smem:$0x3FB6] =	sst s10  }
0x38: {  	s10 =	sld [smem:$0x3FB7]  }
0x39: {  	_ = 	snop;
	(pc) =	sbr.ind lr, $3  }
0x3a: {  	_ = 	snop  }
0x3b: {  	_ = 	snop  }
0x3c: {  	p2 =	seq.s32 s10, $0x1;
	s10 =	sld [smem:$0x3FB6]  }
0x3d: {  	_ =	shalt  }
0x3e: {  	_ =	shalt  }
0x3f: {  	_ =	shalt  }
0x40: {  	_ =	shalt  }
0x41: {  	_ =	shalt  }
0x42: {  	_ =	shalt  }
0x43: {  	_ =	shalt  }
0x44: {  	_ =	shalt  }
0x45: {  	_ =	shalt  }
0x46: {  	_ =	shalt  }
0x47: {  	_ =	shalt  }
0x48: {  	_ =	shalt  }
0x49: {  	_ =	shalt  }
0x4a: {  	_ =	shalt  }
0x4b: {  	_ =	shalt  }
0x4c: {  	_ =	shalt  }
0x4d: {  	_ =	shalt  }
0x4e: {  	_ =	shalt  }
0x4f: {  	_ =	shalt  }
0x50: {  	_ =	shalt  }
0x51: {  	_ =	shalt  }
0x52: {  	_ =	shalt  }
0x53: {  	_ =	shalt  }
0x54: {  	_ =	shalt  }
0x55: {  	_ =	shalt  }
0x56: {  	_ =	shalt  }
0x57: {  	_ =	shalt  }
0x58: {  	_ =	shalt  }
0x59: {  	_ =	shalt  }
0x5a: {  	_ =	shalt  }
0x5b: {  	_ =	shalt  }
0x5c: {  	_ =	shalt  }
0x5d: {  	_ =	shalt  }
0x5e: {  	_ =	shalt  }
0x5f: {  	_ =	shalt  }
0x60: {  	_ =	shalt  }
0x61: {  	_ =	shalt  }
0x62: {  	_ =	shalt  }
0x63: {  	_ =	shalt  }
0x64: {  	_ =	shalt  }
0x65: {  	_ =	shalt  }
0x66: {  	_ =	shalt  }
0x67: {  	_ =	shalt  }
0x68: {  	_ =	shalt  }
0x69: {  	_ =	shalt  }
0x6a: {  	_ =	shalt  }
0x6b: {  	_ =	shalt  }
0x6c: {  	_ =	shalt  }
0x6d: {  	_ =	shalt  }
0x6e: {  	_ =	shalt  }
0x6f: {  	_ =	shalt  }
0x70: {  	_ =	shalt  }
0x71: {  	_ =	shalt  }
0x72: {  	_ =	shalt  }
0x73: {  	_ =	shalt  }
0x74: {  	_ =	shalt  }
0x75: {  	_ =	shalt  }
0x76: {  	_ =	shalt  }
0x77: {  	_ =	shalt  }
0x78: {  	_ =	shalt  }
0x79: {  	_ =	shalt  }
0x7a: {  	_ =	shalt  }
0x7b: {  	_ =	shalt  }
0x7c: {  	_ =	shalt  }
0x7d: {  	_ =	shalt  }
0x7e: {  	_ =	shalt  }
0x7f: {  	_ =	shalt  }
0x80: {  	_ =	shalt  }
0x81: {  	_ =	shalt  }
0x82: {  	_ =	shalt  }
0x83: {  	_ =	shalt  }
0x84: {  	_ =	shalt  }
0x85: {  	_ =	shalt  }
0x86: {  	_ =	shalt  }
0x87: {  	_ =	shalt  }
.Lfunc_end0:
.L_simem_size_0:
called_computation.1_lowered:
.L_overlay_start_0:
0x88: {  	s2 =	sld [smem:$0x3FD9]  }
0x89: {  	s3 =	sld [smem:$0x3FFE];
	_ =	sdelay $0x1  }
0x8a: {  	s1 =	srdreg.scid  }
0x8b: {  	s0 =	sand.u32 $0x1, s1  }
0x8c: {  	s17 =	sshll.u32 s0, $0xA;
	s2 =	sadd.s32 s3, s2  }
0x8d: {  	s2 =	sadd.s32 s2, s17  }
0x8e: {  	[smem:$0x3FC2] =	sst s2  }
0x8f: {  	_ = 	snop  }
0x90: {  	s2 =	sld [smem:$0x3FD0];
	(tm) =	ssettm $0x1  }
0x91: {  	s18 =	sld [smem:$0x3FFB];
	_ =	sdelay $0x3  }
0x92: {  	_ =	strace s18  }
0x93: {  	s3 =	sld [smem:$0x3FFC];
	_ =	sdelay $0x3  }
0x94: {  	_ =	strace s3  }
0x95: {  	s3 =	sld [smem:$0x3FFD];
	_ =	sdelay $0x3  }
0x96: {  	_ =	strace s3  }
0x97: {  	_ =	strace $0x8FFFFFFF  }
0x98: {  	s19 =	sld [smem:$0x3FDB];
	_ =	sdelay $0x1  }
0x99: {  	s4 =	simm.s32 $_scs_section_size  }
0x9a: {  	s5 =	simm.s32 $_size__tile_overlayer_lowered;
	s6 =	simm.s32 $_tile_overlayer_lowered  }
0x9b: {  	s22 =	simm.s32 $0x1BFF;
	s21 =	sshll.u32 s6, $0x1;
	s3 =	sadd.s32 s4, s19  }
0x9c: {  	s7 =	simm.s32 $0x0;
	s20 =	sshll.u32 s5, $0x1;
	s5 =	sadd.s32 s21, s3  }
0x9d: {  	[timem:s7], [sflag:s22] =	dma.local [hbm:s5], s20  }
0x9e: {  	_ =	swait.ge [sflag:s22], s20  }
0x9f: {  	s4 =	ssub.s32 $0x0, s20;
	[sflag:s22] =	ssyncset.done $0x0  }
0xa0: {  	[sflag:s22] =	ssyncadd.s32 s4;
	_ =	sdelay $0x1  }
0xa1: {  	s23 =	simm.s32 $0x1B8B  }
0xa2: {  	_ =	swait.ge [sflag:s23], $0x1  }
0xa3: {  	[sflag:s23] =	ssyncset.done $0x0  }
0xa4: {  	s25 =	simm.s32 $0x1B8E;
	s24 =	sld [smem:$0x3FFE];
	[sflag:s23] =	ssyncadd.s32 $0xFFFFFFFF  }
0xa5: {  	s26 =	simm.s32 $execute0_lowered;
	[smem:$0x3FD2] =	sst s25  }
0xa6: {  	s5 =	sshll.u32 s26, $0x1;
	_ =	strace $0x80000049;
	[dreg:$0x1] =	wrdreg $0xFFFFFFFF  }
0xa7: {  	s28 =	simm.s32 $_size_execute0_lowered;
	s3 =	sadd.s32 s3, s5;
	[dreg:$0x0] =	wrdreg $0x0  }
0xa8: {  	s5 =	sshll.u32 s28, $0x1;
	[dreg:$0x2] =	wrdreg s3  }
0xa9: {  	[dreg:$0x3] =	wrdreg s5  }
0xaa: {  	[dreg:$0x4] =	wrdreg $0xC0  }
0xab: {  	_ =	task [dreg:s7], $0x5FFFF  }
0xac: {  	[dreg:$0x1] =	wrdreg $0xFFFFFFFF  }
0xad: {  	[dreg:$0x0] =	wrdreg $0x60  }
0xae: {  	[dreg:$0x2] =	wrdreg s24  }
0xaf: {  	[dreg:$0x3] =	wrdreg s2  }
0xb0: {  	[dreg:$0x4] =	wrdreg $0xAA000  }
0xb1: {  	[dreg:$0x5] =	wrdreg $0x9  }
0xb2: {  	_ =	task.clear_ibuf [dreg:s7], $0x6FFFF;
	_ =	strace $0x90000049  }
0xb3: {  	s29 =	simm.s32 $0x9;
	_ =	strace $0x8000004B  }
0xb4: {  	_ =	swait.ge [sflag:s29], $0x1  }
0xb5: {  	[sflag:s29] =	ssyncadd.s32 $0xFFFFFFFF  }
0xb6: {  	_ =	strace $0x9000004B  }
0xb7: {  	_ =	sfence  }
0xb8: {  	s30 =	sld [smem:$0x0];
	_ =	sdelay $0x2  }
0xb9: {  	s31 =	sshll.u32 s1, $0xD;
	s1 =	sshrl.u32 s1, $0x2  }
0xba: {  	s3 =	sand.u32 $0x4000, s31;
	s1 =	sadd.s32 s1, s30  }
0xbb: {  	s0 =	sor.u32 s3, s0;
	s1 =	sshll.u32 s1, $0x11  }
0xbc: {  	s0 =	sor.u32 s1, s0  }
0xbd: {  	s0 =	sadd.s32 $0x8F2B, s0  }
0xbe: {  	[sflag:s0] =	ssyncadd.remote.s32 $0x1  }
0xbf: {  	_ =	sfence.sel $0xFFFF  }
0xc0: {  	[dreg:$0x0] =	wrdreg $0xFFFFFFFF;
	(pc) =	sbr.abs _section_cstart, $3  }
0xc1: {  	[dreg:$0x1] =	wrdreg $0xFFFFFFFF  }
0xc2: {  	_ =	task.clear_ibuf [dreg:s7], $0x2FFFF;
	_ =	strace $0x9FFFFFFF  }
0xc3: {  	(tm) =	ssettm $0x7FFFFFFF  }
tec
execute0_lowered:
.L_overlay_start_1:
0x0: {  	(tag) =	ssettag $0x1  }
0x1: {  	s0 =	srdreg.scid  }
0x2: {  	s1 =	rddreg [dreg:$0x0];
	s9 =	stileid.u32  }
0x3: {  	s2 =	rddreg [dreg:$0x1];
	s18 =	simm.s32 $0x2A00;
	s19 =	simm.s32 $0x5  }
0x4: {  	s20 =	simm.s32 $0x2900;
	s21 =	simm.s32 $0x80;
	s7 =	smul.u32 $0x14000, s9  }
0x5: {  	s22 =	simm.s32 $0x2980;
	s28 =	simm.s32 $0x2;
	s23 =	smul.u32 $0x50000, s9  }
0x6: {  	s29 =	simm.s32 $0x0;
	s0 =	sand.u32 $0x1, s0;
	s13 =	smul.u32 $0x2900, s9  }
0x7: {  	s3 =	sshll.u32 s0, $0x4;
	s6 =	smul.u32 $0x140000, s0;
	s8 =	ssub.s32 $0x2, s0  }
0x8: {  	s0 =	smul.u32 $0x29000, s0;
	s4 =	sor.u32 s9, s3;
	s3 =	rddreg [dreg:$0x2]  }
0x9: {  	s24 =	sshrl.u32 s23, $0x2;
	s25 =	sshrl.u32 s8, $0x1;
	s23 =	simm.s32 $0x6A00  }
0xa: {  	s5 =	smul.u32 $0x2900, s4;
	s4 =	simm.s32 $0x0;
	s6 =	sadd.s32 s7, s6  }
0xb: {  	s15 =	ssub.s32 s8, s25;
	s0 =	sadd.s32 s13, s0;
	s25 =	simm.s32 $0x1  }
0xc: {  	[smem:$0x7FF] =	sst s4;
	s6 =	sshrl.u32 s6, $0x3;
	s30 =	sadd.s32 $0x180, s0  }
0xd: {  	s15 =	smax.u32 s15, $0x1;
	s16 =	sadd.s32 $0x100, s0;
	_ =	strace $0x8000004A  }
0xe: {  	s12 =	sshrl.u32 s5, $0x3;
	s5 =	sadd.s32 $0x16000, s1;
	s31 =	sshrl.u32 s30, $0x3  }
0xf: {  	s11 =	sadd.s32 s12, s1;
	s1 =	sadd.s32 s6, s1;
	s6 =	sadd.s32 s24, s3  }
0x10: {  	s12 =	sadd.s32 s2, s12;
	s17 =	sadd.s32 s31, s2;
	s24 =	simm.s32 $0x3  }
0x11: {  	s26 =	sadd.s32 $0x4000, s6;
	s8 =	sadd.s32 $0x8000, s6;
	s9 =	sadd.s32 $0xC000, s6  }
0x12: {  	s10 =	sadd.s32 $0x10000, s6;
	s11 =	sadd.s32 $0xBC00, s11;
	s13 =	sadd.s32 $0x10, s12  }
0x13: {  	v0 =	vimm.f32 $0.0e+00;
	s14 =	sadd.s32 $0x3E000, s1;
	[dreg:$0x4] =	wrdreg s26;
	s26 =	simm.s32 $0x4  }
.LBB2_1:
0x14: {  	s1 =	simm.s32 $0x0;
	s30 =	simm.s32 $0x200  }
.LBB2_2:
0x15: {  	p0 =	sne.s32 s30, $0xFE00;
	[tilespmem:s1+$0x2A70] =	vst v0  }
0x16: {  	[tilespmem:s1+$0x2A00] =	vst v0  }
0x17: {  	[tilespmem:s1+$0x2A10] =	vst v0  }
.Ltmp0:
0x18: {  	[tilespmem:s1+$0x2A20] =	vst v0;
	(pc) =	sbr.rel @p0 .LBB2_2-.Ltmp0, $4  }
0x19: {  	[tilespmem:s1+$0x2A30] =	vst v0  }
0x1a: {  	[tilespmem:s1+$0x2A40] =	vst v0  }
0x1b: {  	[tilespmem:s1+$0x2A50] =	vst v0  }
0x1c: {  	[tilespmem:s1+$0x2A60] =	vst v0;
	s1 =	sshra.s32 s30, $0x2;
	s30 =	sadd.s32 $0x200, s30  }
0x1d: {  	[tilespmem:s1+$0x2A70] =	vst v0  }
0x1e: {  	[tilespmem:s1+$0x2A00] =	vst v0  }
0x1f: {  	[tilespmem:s1+$0x2A10] =	vst v0  }
0x20: {  	[tilespmem:s1+$0x2A20] =	vst v0  }
0x21: {  	[tilespmem:s1+$0x2A30] =	vst v0  }
0x22: {  	[tilespmem:s1+$0x2A40] =	vst v0  }
0x23: {  	[tilespmem:s1+$0x2A50] =	vst v0  }
0x24: {  	[tilespmem:s1+$0x2A60] =	vst v0  }
0x25: {  	[spmem:s6] =	stream.linear.scatter [tilespmem:s18], [sflag:$0x5], $0x4000, $0x38;
	[tilespmem:$0x1EA00] =	vst v63  }
0x26: {  	_ =	swait.ge [sflag:s19], $0x4000  }
0x27: {  	[sflag:s19] =	ssyncset.done $0x0  }
0x28: {  	s0 =	rddreg [dreg:$0x4];
	[sflag:s19] =	ssyncadd.s32 $0xFFFFC000  }
0x29: {  	[spmem:s0] =	stream.linear.scatter [tilespmem:s18], [sflag:$0x5], $0x4000, $0x38;
	[tilespmem:$0x1EA00] =	vst v63  }
0x2a: {  	_ =	swait.ge [sflag:s19], $0x4000  }
0x2b: {  	[sflag:s19] =	ssyncset.done $0x0  }
0x2c: {  	[sflag:s19] =	ssyncadd.s32 $0xFFFFC000  }
0x2d: {  	[spmem:s8] =	stream.linear.scatter [tilespmem:s18], [sflag:$0x5], $0x4000, $0x38;
	[tilespmem:$0x1EA00] =	vst v63  }
0x2e: {  	_ =	swait.ge [sflag:s19], $0x4000  }
0x2f: {  	[sflag:s19] =	ssyncset.done $0x0  }
0x30: {  	[sflag:s19] =	ssyncadd.s32 $0xFFFFC000  }
0x31: {  	[spmem:s9] =	stream.linear.scatter [tilespmem:s18], [sflag:$0x5], $0x4000, $0x38;
	[tilespmem:$0x1EA00] =	vst v63  }
0x32: {  	_ =	swait.ge [sflag:s19], $0x4000  }
0x33: {  	[sflag:s19] =	ssyncset.done $0x0  }
0x34: {  	[sflag:s19] =	ssyncadd.s32 $0xFFFFC000  }
0x35: {  	[spmem:s10] =	stream.linear.scatter [tilespmem:s18], [sflag:$0x5], $0x4000, $0x38;
	[tilespmem:$0x1EA00] =	vst v63  }
0x36: {  	_ =	swait.ge [sflag:s19], $0x4000  }
0x37: {  	[sflag:s19] =	ssyncset.done $0x0  }
0x38: {  	s1 =	simm.s32 $0x0;
	[sflag:s19] =	ssyncadd.s32 $0xFFFFC000  }
0x39: {  	[tilespmem:s1], [sflag:$0x5] =	stream.linear.gather [hbm4b:s11+s1], $0x2900, $0x38;
	[tilespmem:$0x1EA00] =	vst v63  }
0x3a: {  	_ =	swait.ge [sflag:s19], $0x2900  }
0x3b: {  	[sflag:s19] =	ssyncset.done $0x0  }
0x3c: {  	[sflag:s19] =	ssyncadd.s32 $0xFFFFD700  }
0x3d: {  	[bflag:$0x0] =	sbarrier.arrive $0xFFFF  }
0x3e: {  	[tilespmem:s20], [sflag:$0x3] =	stream.linear.gather [hbm4b:s12+s1], $0x80, $0x38;
	[tilespmem:$0x1EA00] =	vst v63  }
0x3f: {  	_ = 	snop  }
0x40: {  	[tilespmem:s18], [sflag:$0x1] =	stream.indirect.gather [hbm4b:s5+s21], $0x80, s1, s21, $0xb8;
	[tilespmem:$0x1EA00] =	vst v63  }
0x41: {  	_ = 	snop  }
0x42: {  	[tilespmem:s22], [sflag:$0x4] =	stream.linear.gather [hbm4b:s13+s1], $0x80, $0x38;
	[tilespmem:$0x1EA00] =	vst v63  }
0x43: {  	_ = 	snop  }
0x44: {  	[tilespmem:s23], [sflag:$0x2] =	stream.indirect.gather [hbm4b:s5+s21], $0x80, s21, s21, $0xb8;
	[tilespmem:$0x1EA00] =	vst v63  }
0x45: {  	_ =	swait.ge [sflag:s24], $0x80  }
0x46: {  	[sflag:s24] =	ssyncset.done $0x0  }
0x47: {  	[sflag:s24] =	ssyncadd.s32 $0xFFFFFF80  }
0x48: {  	_ =	swait.ge [sflag:s25], $0x4000  }
0x49: {  	[sflag:s25] =	ssyncset.done $0x0  }
0x4a: {  	[sflag:s25] =	ssyncadd.s32 $0xFFFFC000  }
0x4b: {  	[spmem:s3] =	stream.indirect.scatter.add.f32 [tilespmem:s18], [sflag:$0x5], $0x80, s20, s21, $0xb8;
	[tilespmem:$0x1EA00] =	vst v63  }
0x4c: {  	_ =	swait.ge [sflag:s19], $0x4000  }
0x4d: {  	s7 =	sshrl.u32 s16, $0x3;
	[sflag:s19] =	ssyncset.done $0x0  }
0x4e: {  	s0 =	sadd.s32 s2, s7;
	[sflag:s19] =	ssyncadd.s32 $0xFFFFC000  }
0x4f: {  	[tilespmem:s20], [sflag:$0x3] =	stream.linear.gather [hbm4b:s0+s4], $0x80, $0x38;
	[tilespmem:$0x1EA00] =	vst v63  }
0x50: {  	s1 =	simm.s32 $0x100  }
0x51: {  	[tilespmem:s18], [sflag:$0x1] =	stream.indirect.gather [hbm4b:s5+s21], $0x80, s1, s21, $0xb8;
	[tilespmem:$0x1EA00] =	vst v63  }
0x52: {  	_ =	swait.ge [sflag:s26], $0x80  }
0x53: {  	[sflag:s26] =	ssyncset.done $0x0  }
0x54: {  	[sflag:s26] =	ssyncadd.s32 $0xFFFFFF80  }
0x55: {  	_ =	swait.ge [sflag:s28], $0x4000  }
0x56: {  	[sflag:s28] =	ssyncset.done $0x0  }
0x57: {  	[sflag:s28] =	ssyncadd.s32 $0xFFFFC000  }
0x58: {  	[spmem:s3] =	stream.indirect.scatter.add.f32 [tilespmem:s23], [sflag:$0x5], $0x80, s22, s21, $0xb8;
	[tilespmem:$0x1EA00] =	vst v63  }
0x59: {  	s30 =	simm.s32 $0x20;
	_ =	swait.ge [sflag:s19], $0x4000  }
0x5a: {  	s31 =	simm.s32 $0x200;
	s7 =	sadd.s32 $0x0, s17;
	[sflag:s19] =	ssyncset.done $0x0  }
0x5b: {  	s0 =	simm.s32 $0x180;
	s1 =	sadd.s32 $0x100, s16;
	[sflag:s19] =	ssyncadd.s32 $0xFFFFC000  }
0x5c: {  	[tilespmem:s22], [sflag:$0x4] =	stream.linear.gather [hbm4b:s7+s4], $0x80, $0x38;
	[tilespmem:$0x1EA00] =	vst v63  }
.LBB2_4:
0x5d: {  	[tilespmem:s23], [sflag:$0x2] =	stream.indirect.gather [hbm4b:s5+s21], $0x80, s0, s21, $0xb8;
	[tilespmem:$0x1EA00] =	vst v63  }
0x5e: {  	s0 =	smov.u32 s30  }
0x5f: {  	p0 =	sne.s32 s30, $0x4E0;
	s30 =	sadd.s32 $0x20, s30;
	_ =	swait.ge [sflag:s24], $0x80  }
0x60: {  	[sflag:s24] =	ssyncset.done $0x0  }
0x61: {  	[sflag:s24] =	ssyncadd.s32 $0xFFFFFF80  }
0x62: {  	_ =	swait.ge [sflag:s25], $0x4000  }
0x63: {  	[sflag:s25] =	ssyncset.done $0x0  }
0x64: {  	[sflag:s25] =	ssyncadd.s32 $0xFFFFC000  }
0x65: {  	[spmem:s3] =	stream.indirect.scatter.add.f32 [tilespmem:s18], [sflag:$0x5], $0x80, s20, s21, $0xb8;
	[tilespmem:$0x1EA00] =	vst v63  }
0x66: {  	_ =	swait.ge [sflag:s19], $0x4000  }
0x67: {  	s7 =	sshrl.u32 s1, $0x3;
	[sflag:s19] =	ssyncset.done $0x0  }
0x68: {  	s7 =	sadd.s32 s2, s7;
	[sflag:s19] =	ssyncadd.s32 $0xFFFFC000  }
0x69: {  	[tilespmem:s20], [sflag:$0x3] =	stream.linear.gather [hbm4b:s7+s4], $0x80, $0x38;
	[tilespmem:$0x1EA00] =	vst v63  }
0x6a: {  	_ = 	snop  }
0x6b: {  	[tilespmem:s18], [sflag:$0x1] =	stream.indirect.gather [hbm4b:s5+s21], $0x80, s31, s21, $0xb8;
	[tilespmem:$0x1EA00] =	vst v63  }
0x6c: {  	_ =	swait.ge [sflag:s26], $0x80  }
0x6d: {  	[sflag:s26] =	ssyncset.done $0x0  }
0x6e: {  	[sflag:s26] =	ssyncadd.s32 $0xFFFFFF80  }
0x6f: {  	_ =	swait.ge [sflag:s28], $0x4000  }
0x70: {  	[sflag:s28] =	ssyncset.done $0x0  }
0x71: {  	[sflag:s28] =	ssyncadd.s32 $0xFFFFC000  }
0x72: {  	[spmem:s3] =	stream.indirect.scatter.add.f32 [tilespmem:s23], [sflag:$0x5], $0x80, s22, s21, $0xb8;
	[tilespmem:$0x1EA00] =	vst v63  }
.Ltmp1:
0x73: {  	_ =	swait.ge [sflag:s19], $0x4000;
	(pc) =	sbr.rel @p0 .LBB2_4-.Ltmp1, $4  }
0x74: {  	[sflag:s19] =	ssyncset.done $0x0  }
0x75: {  	s0 =	sadd.s32 s0, s17;
	[sflag:s19] =	ssyncadd.s32 $0xFFFFC000  }
0x76: {  	[tilespmem:s22], [sflag:$0x4] =	stream.linear.gather [hbm4b:s0+s4], $0x80, $0x38;
	[tilespmem:$0x1EA00] =	vst v63  }
0x77: {  	s1 =	sadd.s32 $0x100, s1;
	s0 =	sadd.s32 $0x80, s31;
	s31 =	sadd.s32 $0x100, s31  }
0x78: {  	[tilespmem:s23], [sflag:$0x2] =	stream.indirect.gather [hbm4b:s5+s21], $0x80, s0, s21, $0xb8;
	[tilespmem:$0x1EA00] =	vst v63  }
0x79: {  	_ =	swait.ge [sflag:s24], $0x80  }
0x7a: {  	[sflag:s24] =	ssyncset.done $0x0  }
0x7b: {  	[sflag:s24] =	ssyncadd.s32 $0xFFFFFF80  }
0x7c: {  	_ =	swait.ge [sflag:s25], $0x4000  }
0x7d: {  	[sflag:s25] =	ssyncset.done $0x0  }
0x7e: {  	[sflag:s25] =	ssyncadd.s32 $0xFFFFC000  }
0x7f: {  	[spmem:s3] =	stream.indirect.scatter.add.f32 [tilespmem:s18], [sflag:$0x5], $0x80, s20, s21, $0xb8;
	[tilespmem:$0x1EA00] =	vst v63  }
0x80: {  	_ =	swait.ge [sflag:s19], $0x4000  }
0x81: {  	[sflag:s19] =	ssyncset.done $0x0  }
0x82: {  	[sflag:s19] =	ssyncadd.s32 $0xFFFFC000  }
0x83: {  	_ =	swait.ge [sflag:s26], $0x80  }
0x84: {  	[sflag:s26] =	ssyncset.done $0x0  }
0x85: {  	[sflag:s26] =	ssyncadd.s32 $0xFFFFFF80  }
0x86: {  	_ =	swait.ge [sflag:s28], $0x4000  }
0x87: {  	[sflag:s28] =	ssyncset.done $0x0  }
0x88: {  	[sflag:s28] =	ssyncadd.s32 $0xFFFFC000  }
0x89: {  	[spmem:s3] =	stream.indirect.scatter.add.f32 [tilespmem:s23], [sflag:$0x5], $0x80, s22, s21, $0xb8;
	[tilespmem:$0x1EA00] =	vst v63  }
0x8a: {  	s31 =	stileid.u32;
	_ =	swait.ge [sflag:s19], $0x4000  }
0x8b: {  	s1 =	sshrl.u32 s6, $0x3;
	s29 =	sadd.s32 $0x1, s29;
	[sflag:s19] =	ssyncset.done $0x0  }
0x8c: {  	s0 =	sshll.u32 s31, $0x6;
	p0 =	sne.s32 s29, s15;
	[sflag:s19] =	ssyncadd.s32 $0xFFFFC000  }
.Ltmp2:
0x8d: {  	s0 =	sor.u32 $0x1C05, s0;
	[bflag:$0x0] =	sbarrier.arrive $0xFFFF;
	(pc) =	sbr.rel @p0 .LBB2_1-.Ltmp2, $4  }
0x8e: {  	[hbm:s14], [sflag:s0] =	dma.local [spmem:s1], $0x2800  }
0x8f: {  	_ =	swait.ge [sflag:s19], $0x2800  }
0x90: {  	[sflag:s19] =	ssyncset.done $0x0  }
0x91: {  	[sflag:s19] =	ssyncadd.s32 $0xFFFFD800  }
0x92: {  	_ =	sfence.sel $0x180000  }
0x93: {  	[bflag:$0x0] =	sbarrier.arrive $0xFFFF  }
0x94: {  	_ =	strace $0x9000004A  }
0x95: {  	s0 =	stileid.u32;
	[bflag:$0x2] =	sbarrier.arrive $0xFFFF  }
0x96: {  	p0 =	sne.s32 s0, $0x0;
	s0 =	rddreg [dreg:$0x3]  }
0x97: {  	s0 =	sadd.s32 @!p0 $0x100000, s0  }
0x98: {  	[sflag:s0] =	ssyncadd.tile.s32 @!p0 $0x1;
	_ =	shalt  }
.Lfunc_end2:
_tile_overlayer_lowered:
.L_overlay_start_2:
0x99: {  	(tag) =	ssettag $0x2  }
0x9a: {  	s0 =	rddreg [dreg:$0x0];
	s2 =	stileid.u32  }
0x9b: {  	s1 =	rddreg [dreg:$0x1];
	p0 =	sne.s32 s2, $0x0  }
0x9c: {  	s3 =	rddreg [dreg:$0x2];
	[bflag:$0x3] =	sbarrier.arrive $0xFFFF;
	s2 =	simm.s32 @!p0 $0x1C05  }
0x9d: {  	[timem:s3], [sflag:s2] =	dma.local @!p0 [hbm:s0], s1  }
0x9e: {  	s0 =	simm.s32 @!p0 $0x5  }
0x9f: {  	_ =	swait.ge @!p0 [sflag:s0], s1  }
0xa0: {  	s1 =	ssub.s32 @!p0 $0x0, s1;
	[sflag:s0] =	ssyncset.done @!p0 $0x0  }
0xa1: {  	[sflag:s0] =	ssyncadd.s32 @!p0 s1  }
0xa2: {  	[bflag:$0x3] =	sbarrier.arrive $0xFFFF  }
0xa3: {  	_ =	shalt  }

// kernel: kernel.14.cloned.1.call-start
scs
__scs_entry_jumppad:
0x0: {  	(pc) =	sbr.rel $0x88, $3  }
0x1: {  	(tag) =	ssettag $0x0;
	lr =	simm.s32 $0x1  }
0x2: {  	[smem:$0x3F9B] =	sst lr;
	_ =	strace $0xD0000000  }
0x3: {  	_ = 	snop  }
0x4: {  	_ = 	snop  }
0x5: {  	_ = 	snop  }
0x6: {  	_ = 	snop  }
0x7: {  	_ = 	snop  }
__scs_overlays_trampoline_lowered:
0x8: {  	[smem:$0x3FAA] =	sst s0  }
0x9: {  	[smem:$0x3FAB] =	sst s1  }
0xa: {  	[smem:$0x3FAC] =	sst s2  }
0xb: {  	[smem:$0x3FAD] =	sst s3  }
0xc: {  	[smem:$0x3FAE] =	sst s4  }
0xd: {  	[smem:$0x3FAF] =	sst s5  }
0xe: {  	[smem:$0x3FB0] =	sst s6  }
0xf: {  	[smem:$0x3FB1] =	sst s7  }
0x10: {  	[smem:$0x3FB2] =	sst s8  }
0x11: {  	[smem:$0x3FB3] =	sst s9;
	s0 =	simm.s32 @!p0 $0x0  }
0x12: {  	s1 =	sld [smem:$0x3F99];
	s0 =	simm.s32 @p0 $0x1  }
0x13: {  	[smem:$0x3FB4] =	sst s0;
	s0 =	simm.s32 @!p1 $0x0  }
0x14: {  	s2 =	sld [smem:$0x3F98];
	s0 =	simm.s32 @p1 $0x1  }
0x15: {  	[smem:$0x3FB5] =	sst s0;
	s0 =	simm.s32 @!p2 $0x0  }
0x16: {  	s3 =	sld [smem:$0x3FDB];
	s0 =	simm.s32 @p2 $0x1  }
0x17: {  	s4 =	simm.s32 $0x1BF5;
	[smem:$0x3FB7] =	sst s0  }
0x18: {  	s0 =	sld [smem:$0x3F9A];
	_ =	swait.ge [sflag:s4], $0x0  }
0x19: {  	s7 =	sld [smem:$0x3F9B]  }
0x1a: {  	s8 =	sadd.s32 $0xFFFFE003, lr  }
0x1b: {  	s9 =	sadd.s32 $0xFFFFFEF7, lr;
	s5 =	simm.s32 $0xFFFFFFFF;
	p2 =	slt.u32 s8, $0xFFFFF086  }
0x1c: {  	p1 =	slt.u32 s9, $0xF7A;
	s5 =	simm.s32 @!p2 $0x0  }
0x1d: {  	s5 =	simm.s32 @p1 $0x1;
	p0 =	seq.s32 s7, s2  }
0x1e: {  	s7 =	smul.u32 @!p0 $0xF7A, s2;
	p2 =	seq.s32 @!p0 s5, $0x0  }
0x1f: {  	s9 =	smul.u32 $0xF7A, s1;
	s8 =	simm.s32 @!p0 $0x1BF5;
	p2 =	por !p2, p0  }
0x20: {  	[sflag:s8] =	ssyncset.s32 @!p0 $0xFFFFF086;
	s6 =	sadd.s32 @!p0 s3, s7;
	s7 =	simm.s32 @!p0 $0x108  }
0x21: {  	s3 =	sadd.s32 s3, s9;
	s6 =	sadd.s32 @!p0 $0x88, s6;
	s7 =	simm.s32 @p2 $0x1082  }
0x22: {  	[simem:s7], [sflag:s8] =	dma.local @!p0 [hbm:s6], $0xF7A  }
0x23: {  	s9 =	sor.u32 $0xD0000000, s2;
	s6 =	simm.s32 $0x108;
	_ =	swait.ge @!p0 [sflag:s8], $0x0  }
0x24: {  	s3 =	sadd.s32 $0x88, s3;
	s6 =	simm.s32 @!p1 $0x1082;
	[sflag:s4] =	ssyncset.s32 $0xFFFFF086  }
0x25: {  	[simem:s6], [sflag:s4] =	dma.local [hbm:s3], $0xF7A  }
0x26: {  	[smem:$0x3F9B] =	sst s1;
	(tag) =	ssettag s2;
	_ =	strace s9  }
0x27: {  	s1 =	sld [smem:$0x3FAB]  }
0x28: {  	s2 =	sld [smem:$0x3FAC]  }
0x29: {  	s4 =	sld [smem:$0x3FAE]  }
0x2a: {  	p0 =	seq.s32 s5, $0x0;
	s5 =	sld [smem:$0x3FAF]  }
0x2b: {  	s6 =	sld [smem:$0x3FB0]  }
0x2c: {  	s7 =	sld [smem:$0x3FB1]  }
0x2d: {  	s3 =	simm.s32 $0x108;
	s8 =	sld [smem:$0x3FB2]  }
0x2e: {  	s3 =	simm.s32 @!p0 $0x1082;
	s9 =	sld [smem:$0x3FB3]  }
0x2f: {  	lr =	sadd.s32 s0, s3;
	s0 =	sld [smem:$0x3FAA]  }
0x30: {  	s3 =	sld [smem:$0x3FAD]  }
0x31: {  	[smem:$0x3FB6] =	sst s10  }
0x32: {  	s10 =	sld [smem:$0x3FB4];
	_ =	sdelay $0x3  }
0x33: {  	p0 =	seq.s32 s10, $0x1;
	s10 =	sld [smem:$0x3FB6];
	_ =	sdelay $0x3  }
0x34: {  	[smem:$0x3FB6] =	sst s10  }
0x35: {  	s10 =	sld [smem:$0x3FB5];
	_ =	sdelay $0x3  }
0x36: {  	p1 =	seq.s32 s10, $0x1;
	s10 =	sld [smem:$0x3FB6];
	_ =	sdelay $0x3  }
0x37: {  	[smem:$0x3FB6] =	sst s10  }
0x38: {  	s10 =	sld [smem:$0x3FB7]  }
0x39: {  	_ = 	snop;
	(pc) =	sbr.ind lr, $3  }
0x3a: {  	_ = 	snop  }
0x3b: {  	_ = 	snop  }
0x3c: {  	p2 =	seq.s32 s10, $0x1;
	s10 =	sld [smem:$0x3FB6]  }
0x3d: {  	_ =	shalt  }
0x3e: {  	_ =	shalt  }
0x3f: {  	_ =	shalt  }
0x40: {  	_ =	shalt  }
0x41: {  	_ =	shalt  }
0x42: {  	_ =	shalt  }
0x43: {  	_ =	shalt  }
0x44: {  	_ =	shalt  }
0x45: {  	_ =	shalt  }
0x46: {  	_ =	shalt  }
0x47: {  	_ =	shalt  }
0x48: {  	_ =	shalt  }
0x49: {  	_ =	shalt  }
0x4a: {  	_ =	shalt  }
0x4b: {  	_ =	shalt  }
0x4c: {  	_ =	shalt  }
0x4d: {  	_ =	shalt  }
0x4e: {  	_ =	shalt  }
0x4f: {  	_ =	shalt  }
0x50: {  	_ =	shalt  }
0x51: {  	_ =	shalt  }
0x52: {  	_ =	shalt  }
0x53: {  	_ =	shalt  }
0x54: {  	_ =	shalt  }
0x55: {  	_ =	shalt  }
0x56: {  	_ =	shalt  }
0x57: {  	_ =	shalt  }
0x58: {  	_ =	shalt  }
0x59: {  	_ =	shalt  }
0x5a: {  	_ =	shalt  }
0x5b: {  	_ =	shalt  }
0x5c: {  	_ =	shalt  }
0x5d: {  	_ =	shalt  }
0x5e: {  	_ =	shalt  }
0x5f: {  	_ =	shalt  }
0x60: {  	_ =	shalt  }
0x61: {  	_ =	shalt  }
0x62: {  	_ =	shalt  }
0x63: {  	_ =	shalt  }
0x64: {  	_ =	shalt  }
0x65: {  	_ =	shalt  }
0x66: {  	_ =	shalt  }
0x67: {  	_ =	shalt  }
0x68: {  	_ =	shalt  }
0x69: {  	_ =	shalt  }
0x6a: {  	_ =	shalt  }
0x6b: {  	_ =	shalt  }
0x6c: {  	_ =	shalt  }
0x6d: {  	_ =	shalt  }
0x6e: {  	_ =	shalt  }
0x6f: {  	_ =	shalt  }
0x70: {  	_ =	shalt  }
0x71: {  	_ =	shalt  }
0x72: {  	_ =	shalt  }
0x73: {  	_ =	shalt  }
0x74: {  	_ =	shalt  }
0x75: {  	_ =	shalt  }
0x76: {  	_ =	shalt  }
0x77: {  	_ =	shalt  }
0x78: {  	_ =	shalt  }
0x79: {  	_ =	shalt  }
0x7a: {  	_ =	shalt  }
0x7b: {  	_ =	shalt  }
0x7c: {  	_ =	shalt  }
0x7d: {  	_ =	shalt  }
0x7e: {  	_ =	shalt  }
0x7f: {  	_ =	shalt  }
0x80: {  	_ =	shalt  }
0x81: {  	_ =	shalt  }
0x82: {  	_ =	shalt  }
0x83: {  	_ =	shalt  }
0x84: {  	_ =	shalt  }
0x85: {  	_ =	shalt  }
0x86: {  	_ =	shalt  }
0x87: {  	_ =	shalt  }
.Lfunc_end0:
.L_simem_size_0:
called_computation.2_lowered:
.L_overlay_start_0:
0x88: {  	s2 =	sld [smem:$0x3FD9]  }
0x89: {  	s3 =	sld [smem:$0x3FFE];
	_ =	sdelay $0x1  }
0x8a: {  	s1 =	srdreg.scid  }
0x8b: {  	s0 =	sand.u32 $0x1, s1  }
0x8c: {  	s17 =	sshll.u32 s0, $0xA;
	s2 =	sadd.s32 s3, s2  }
0x8d: {  	s2 =	sadd.s32 s2, s17  }
0x8e: {  	[smem:$0x3FC2] =	sst s2  }
0x8f: {  	_ = 	snop  }
0x90: {  	s2 =	sld [smem:$0x3FD0];
	(tm) =	ssettm $0x1  }
0x91: {  	s18 =	sld [smem:$0x3FFB];
	_ =	sdelay $0x3  }
0x92: {  	_ =	strace s18  }
0x93: {  	s3 =	sld [smem:$0x3FFC];
	_ =	sdelay $0x3  }
0x94: {  	_ =	strace s3  }
0x95: {  	s3 =	sld [smem:$0x3FFD];
	_ =	sdelay $0x3  }
0x96: {  	_ =	strace s3  }
0x97: {  	_ =	strace $0x8FFFFFFF  }
0x98: {  	s19 =	sld [smem:$0x3FDB];
	_ =	sdelay $0x1  }
0x99: {  	s4 =	simm.s32 $_scs_section_size  }
0x9a: {  	s5 =	simm.s32 $_size__tile_overlayer_lowered;
	s6 =	simm.s32 $_tile_overlayer_lowered  }
0x9b: {  	s22 =	simm.s32 $0x1BFF;
	s21 =	sshll.u32 s6, $0x1;
	s3 =	sadd.s32 s4, s19  }
0x9c: {  	s7 =	simm.s32 $0x0;
	s20 =	sshll.u32 s5, $0x1;
	s5 =	sadd.s32 s21, s3  }
0x9d: {  	[timem:s7], [sflag:s22] =	dma.local [hbm:s5], s20  }
0x9e: {  	_ =	swait.ge [sflag:s22], s20  }
0x9f: {  	s4 =	ssub.s32 $0x0, s20;
	[sflag:s22] =	ssyncset.done $0x0  }
0xa0: {  	[sflag:s22] =	ssyncadd.s32 s4;
	_ =	sdelay $0x1  }
0xa1: {  	s23 =	simm.s32 $0x1B8B  }
0xa2: {  	_ =	swait.ge [sflag:s23], $0x1  }
0xa3: {  	[sflag:s23] =	ssyncset.done $0x0  }
0xa4: {  	s25 =	simm.s32 $0x1B8E;
	s24 =	sld [smem:$0x3FFE];
	[sflag:s23] =	ssyncadd.s32 $0xFFFFFFFF  }
0xa5: {  	s26 =	simm.s32 $execute0_lowered;
	[smem:$0x3FD2] =	sst s25  }
0xa6: {  	s5 =	sshll.u32 s26, $0x1;
	_ =	strace $0x8000004C;
	[dreg:$0x1] =	wrdreg $0xFFFFFFFF  }
0xa7: {  	s28 =	simm.s32 $_size_execute0_lowered;
	s3 =	sadd.s32 s3, s5;
	[dreg:$0x0] =	wrdreg $0x0  }
0xa8: {  	s5 =	sshll.u32 s28, $0x1;
	[dreg:$0x2] =	wrdreg s3  }
0xa9: {  	[dreg:$0x3] =	wrdreg s5  }
0xaa: {  	[dreg:$0x4] =	wrdreg $0xC0  }
0xab: {  	_ =	task [dreg:s7], $0x5FFFF  }
0xac: {  	[dreg:$0x1] =	wrdreg $0xFFFFFFFF  }
0xad: {  	[dreg:$0x0] =	wrdreg $0x60  }
0xae: {  	[dreg:$0x2] =	wrdreg s24  }
0xaf: {  	[dreg:$0x3] =	wrdreg s2  }
0xb0: {  	[dreg:$0x4] =	wrdreg $0x6A000  }
0xb1: {  	[dreg:$0x5] =	wrdreg $0x9  }
0xb2: {  	_ =	task.clear_ibuf [dreg:s7], $0x6FFFF;
	_ =	strace $0x9000004C  }
0xb3: {  	s29 =	simm.s32 $0x9;
	_ =	strace $0x8000004E  }
0xb4: {  	_ =	swait.ge [sflag:s29], $0x1  }
0xb5: {  	[sflag:s29] =	ssyncadd.s32 $0xFFFFFFFF  }
0xb6: {  	_ =	strace $0x9000004E  }
0xb7: {  	_ =	sfence  }
0xb8: {  	s30 =	sld [smem:$0x0];
	_ =	sdelay $0x2  }
0xb9: {  	s31 =	sshll.u32 s1, $0xD;
	s1 =	sshrl.u32 s1, $0x2  }
0xba: {  	s3 =	sand.u32 $0x4000, s31;
	s1 =	sadd.s32 s1, s30  }
0xbb: {  	s0 =	sor.u32 s3, s0;
	s1 =	sshll.u32 s1, $0x11  }
0xbc: {  	s0 =	sor.u32 s1, s0  }
0xbd: {  	s0 =	sadd.s32 $0x8F2B, s0  }
0xbe: {  	[sflag:s0] =	ssyncadd.remote.s32 $0x1  }
0xbf: {  	_ =	sfence.sel $0xFFFF  }
0xc0: {  	[dreg:$0x0] =	wrdreg $0xFFFFFFFF;
	(pc) =	sbr.abs _section_cstart, $3  }
0xc1: {  	[dreg:$0x1] =	wrdreg $0xFFFFFFFF  }
0xc2: {  	_ =	task.clear_ibuf [dreg:s7], $0x2FFFF;
	_ =	strace $0x9FFFFFFF  }
0xc3: {  	(tm) =	ssettm $0x7FFFFFFF  }
tec
execute0_lowered:
.L_overlay_start_1:
0x0: {  	(tag) =	ssettag $0x1  }
0x1: {  	s0 =	srdreg.scid;
	s1 =	rddreg [dreg:$0x0]  }
0x2: {  	s13 =	stileid.u32;
	s2 =	rddreg [dreg:$0x1]  }
0x3: {  	s18 =	simm.s32 $0x2A00;
	s19 =	simm.s32 $0x5;
	s20 =	simm.s32 $0x2900  }
0x4: {  	s21 =	simm.s32 $0x80;
	s22 =	simm.s32 $0x2980;
	s7 =	smul.u32 $0xA000, s13  }
0x5: {  	s28 =	simm.s32 $0x2;
	s0 =	sand.u32 $0x1, s0;
	s24 =	smul.u32 $0x28000, s13  }
0x6: {  	s29 =	simm.s32 $0x0;
	s5 =	sadd.s32 $0x16000, s1;
	s8 =	smul.u32 $0xA0000, s0  }
0x7: {  	s3 =	sshll.u32 s0, $0x4;
	s9 =	ssub.s32 $0x2, s0;
	s0 =	smul.u32 $0x29000, s0  }
0x8: {  	s4 =	sor.u32 s13, s3;
	s3 =	rddreg [dreg:$0x2];
	s13 =	smul.u32 $0x2900, s13  }
0x9: {  	s25 =	sshrl.u32 s9, $0x1;
	s6 =	smul.u32 $0x2900, s4;
	s4 =	simm.s32 $0x0  }
0xa: {  	s23 =	sadd.s32 s7, s8;
	s8 =	sshrl.u32 s24, $0x2;
	s15 =	ssub.s32 s9, s25  }
0xb: {  	s24 =	simm.s32 $0x3;
	s25 =	simm.s32 $0x1;
	[smem:$0x7FF] =	sst s4  }
0xc: {  	s10 =	sadd.s32 s8, s3;
	s0 =	sadd.s32 s13, s0;
	s15 =	smax.u32 s15, $0x1  }
0xd: {  	_ =	strace $0x8000004D;
	s12 =	sshrl.u32 s6, $0x3;
	s6 =	sshrl.u32 s23, $0x3  }
0xe: {  	s26 =	sadd.s32 $0x2000, s10;
	s8 =	sadd.s32 $0x4000, s10;
	s9 =	sadd.s32 $0x6000, s10  }
0xf: {  	s10 =	sadd.s32 $0x8000, s10;
	s30 =	sadd.s32 $0x180, s0;
	s16 =	sadd.s32 $0x100, s0  }
0x10: {  	s23 =	simm.s32 $0x4A00;
	s11 =	sadd.s32 s12, s1;
	s1 =	sadd.s32 s6, s1  }
0x11: {  	s6 =	sadd.s32 s7, s3;
	[dreg:$0x4] =	wrdreg s26;
	s12 =	sadd.s32 s2, s12  }
0x12: {  	s31 =	sshrl.u32 s30, $0x3;
	s26 =	simm.s32 $0x4;
	s11 =	sadd.s32 $0xBC00, s11  }
0x13: {  	v0 =	vimm.f32 $0.0e+00;
	s13 =	sadd.s32 $0x10, s12;
	s14 =	sadd.s32 $0x2A000, s1;
	s17 =	sadd.s32 s31, s2  }
.LBB2_1:
0x14: {  	s30 =	simm.s32 $0x100;
	s1 =	simm.s32 $0x0  }
.LBB2_2:
0x15: {  	p0 =	sne.s32 s30, $0x7F00;
	[tilespmem:s1+$0x2A30] =	vst v0;
	s0 =	smov.u32 s30;
	s30 =	sadd.s32 $0x100, s30  }
.Ltmp0:
0x16: {  	[tilespmem:s1+$0x2A20] =	vst v0;
	(pc) =	sbr.rel @p0 .LBB2_2-.Ltmp0, $3  }
0x17: {  	[tilespmem:s1+$0x2A00] =	vst v0  }
0x18: {  	[tilespmem:s1+$0x2A10] =	vst v0;
	_ =	sdelay $0x1  }
0x19: {  	s1 =	sshra.s32 s0, $0x2  }
0x1a: {  	[tilespmem:s1+$0x2A30] =	vst v0  }
0x1b: {  	[tilespmem:s1+$0x2A20] =	vst v0  }
0x1c: {  	[tilespmem:s1+$0x2A00] =	vst v0  }
0x1d: {  	[tilespmem:s1+$0x2A10] =	vst v0  }
0x1e: {  	[spmem:s6] =	stream.linear.scatter [tilespmem:s18], [sflag:$0x5], $0x2000, $0x38;
	[tilespmem:$0x10A00] =	vst v63  }
0x1f: {  	_ =	swait.ge [sflag:s19], $0x2000  }
0x20: {  	[sflag:s19] =	ssyncset.done $0x0  }
0x21: {  	s0 =	rddreg [dreg:$0x4];
	[sflag:s19] =	ssyncadd.s32 $0xFFFFE000  }
0x22: {  	[spmem:s0] =	stream.linear.scatter [tilespmem:s18], [sflag:$0x5], $0x2000, $0x38;
	[tilespmem:$0x10A00] =	vst v63  }
0x23: {  	_ =	swait.ge [sflag:s19], $0x2000  }
0x24: {  	[sflag:s19] =	ssyncset.done $0x0  }
0x25: {  	[sflag:s19] =	ssyncadd.s32 $0xFFFFE000  }
0x26: {  	[spmem:s8] =	stream.linear.scatter [tilespmem:s18], [sflag:$0x5], $0x2000, $0x38;
	[tilespmem:$0x10A00] =	vst v63  }
0x27: {  	_ =	swait.ge [sflag:s19], $0x2000  }
0x28: {  	[sflag:s19] =	ssyncset.done $0x0  }
0x29: {  	[sflag:s19] =	ssyncadd.s32 $0xFFFFE000  }
0x2a: {  	[spmem:s9] =	stream.linear.scatter [tilespmem:s18], [sflag:$0x5], $0x2000, $0x38;
	[tilespmem:$0x10A00] =	vst v63  }
0x2b: {  	_ =	swait.ge [sflag:s19], $0x2000  }
0x2c: {  	[sflag:s19] =	ssyncset.done $0x0  }
0x2d: {  	[sflag:s19] =	ssyncadd.s32 $0xFFFFE000  }
0x2e: {  	[spmem:s10] =	stream.linear.scatter [tilespmem:s18], [sflag:$0x5], $0x2000, $0x38;
	[tilespmem:$0x10A00] =	vst v63  }
0x2f: {  	_ =	swait.ge [sflag:s19], $0x2000  }
0x30: {  	[sflag:s19] =	ssyncset.done $0x0  }
0x31: {  	s1 =	simm.s32 $0x0;
	[sflag:s19] =	ssyncadd.s32 $0xFFFFE000  }
0x32: {  	[tilespmem:s1], [sflag:$0x5] =	stream.linear.gather [hbm4b:s11+s1], $0x2900, $0x38;
	[tilespmem:$0x10A00] =	vst v63  }
0x33: {  	_ =	swait.ge [sflag:s19], $0x2900  }
0x34: {  	[sflag:s19] =	ssyncset.done $0x0  }
0x35: {  	[sflag:s19] =	ssyncadd.s32 $0xFFFFD700  }
0x36: {  	[bflag:$0x0] =	sbarrier.arrive $0xFFFF  }
0x37: {  	[tilespmem:s20], [sflag:$0x3] =	stream.linear.gather [hbm4b:s12+s1], $0x80, $0x38;
	[tilespmem:$0x10A00] =	vst v63  }
0x38: {  	_ = 	snop  }
0x39: {  	[tilespmem:s18], [sflag:$0x1] =	stream.indirect.gather [hbm4b:s5+s21], $0x40, s1, s21, $0xb8;
	[tilespmem:$0x10A00] =	vst v63  }
0x3a: {  	_ = 	snop  }
0x3b: {  	[tilespmem:s22], [sflag:$0x4] =	stream.linear.gather [hbm4b:s13+s1], $0x80, $0x38;
	[tilespmem:$0x10A00] =	vst v63  }
0x3c: {  	_ = 	snop  }
0x3d: {  	[tilespmem:s23], [sflag:$0x2] =	stream.indirect.gather [hbm4b:s5+s21], $0x40, s21, s21, $0xb8;
	[tilespmem:$0x10A00] =	vst v63  }
0x3e: {  	_ =	swait.ge [sflag:s24], $0x80  }
0x3f: {  	[sflag:s24] =	ssyncset.done $0x0  }
0x40: {  	[sflag:s24] =	ssyncadd.s32 $0xFFFFFF80  }
0x41: {  	_ =	swait.ge [sflag:s25], $0x2000  }
0x42: {  	[sflag:s25] =	ssyncset.done $0x0  }
0x43: {  	[sflag:s25] =	ssyncadd.s32 $0xFFFFE000  }
0x44: {  	[spmem:s3] =	stream.indirect.scatter.add.f32 [tilespmem:s18], [sflag:$0x5], $0x40, s20, s21, $0xb8;
	[tilespmem:$0x10A00] =	vst v63  }
0x45: {  	_ =	swait.ge [sflag:s19], $0x2000  }
0x46: {  	s7 =	sshrl.u32 s16, $0x3;
	[sflag:s19] =	ssyncset.done $0x0  }
0x47: {  	s0 =	sadd.s32 s2, s7;
	[sflag:s19] =	ssyncadd.s32 $0xFFFFE000  }
0x48: {  	[tilespmem:s20], [sflag:$0x3] =	stream.linear.gather [hbm4b:s0+s4], $0x80, $0x38;
	[tilespmem:$0x10A00] =	vst v63  }
0x49: {  	s1 =	simm.s32 $0x100  }
0x4a: {  	[tilespmem:s18], [sflag:$0x1] =	stream.indirect.gather [hbm4b:s5+s21], $0x40, s1, s21, $0xb8;
	[tilespmem:$0x10A00] =	vst v63  }
0x4b: {  	_ =	swait.ge [sflag:s26], $0x80  }
0x4c: {  	[sflag:s26] =	ssyncset.done $0x0  }
0x4d: {  	[sflag:s26] =	ssyncadd.s32 $0xFFFFFF80  }
0x4e: {  	_ =	swait.ge [sflag:s28], $0x2000  }
0x4f: {  	[sflag:s28] =	ssyncset.done $0x0  }
0x50: {  	[sflag:s28] =	ssyncadd.s32 $0xFFFFE000  }
0x51: {  	[spmem:s3] =	stream.indirect.scatter.add.f32 [tilespmem:s23], [sflag:$0x5], $0x40, s22, s21, $0xb8;
	[tilespmem:$0x10A00] =	vst v63  }
0x52: {  	s30 =	simm.s32 $0x20;
	_ =	swait.ge [sflag:s19], $0x2000  }
0x53: {  	s31 =	simm.s32 $0x200;
	s7 =	sadd.s32 $0x0, s17;
	[sflag:s19] =	ssyncset.done $0x0  }
0x54: {  	s0 =	simm.s32 $0x180;
	s1 =	sadd.s32 $0x100, s16;
	[sflag:s19] =	ssyncadd.s32 $0xFFFFE000  }
0x55: {  	[tilespmem:s22], [sflag:$0x4] =	stream.linear.gather [hbm4b:s7+s4], $0x80, $0x38;
	[tilespmem:$0x10A00] =	vst v63  }
.LBB2_4:
0x56: {  	[tilespmem:s23], [sflag:$0x2] =	stream.indirect.gather [hbm4b:s5+s21], $0x40, s0, s21, $0xb8;
	[tilespmem:$0x10A00] =	vst v63  }
0x57: {  	s0 =	smov.u32 s30  }
0x58: {  	p0 =	sne.s32 s30, $0x4E0;
	s30 =	sadd.s32 $0x20, s30;
	_ =	swait.ge [sflag:s24], $0x80  }
0x59: {  	[sflag:s24] =	ssyncset.done $0x0  }
0x5a: {  	[sflag:s24] =	ssyncadd.s32 $0xFFFFFF80  }
0x5b: {  	_ =	swait.ge [sflag:s25], $0x2000  }
0x5c: {  	[sflag:s25] =	ssyncset.done $0x0  }
0x5d: {  	[sflag:s25] =	ssyncadd.s32 $0xFFFFE000  }
0x5e: {  	[spmem:s3] =	stream.indirect.scatter.add.f32 [tilespmem:s18], [sflag:$0x5], $0x40, s20, s21, $0xb8;
	[tilespmem:$0x10A00] =	vst v63  }
0x5f: {  	_ =	swait.ge [sflag:s19], $0x2000  }
0x60: {  	s7 =	sshrl.u32 s1, $0x3;
	[sflag:s19] =	ssyncset.done $0x0  }
0x61: {  	s7 =	sadd.s32 s2, s7;
	[sflag:s19] =	ssyncadd.s32 $0xFFFFE000  }
0x62: {  	[tilespmem:s20], [sflag:$0x3] =	stream.linear.gather [hbm4b:s7+s4], $0x80, $0x38;
	[tilespmem:$0x10A00] =	vst v63  }
0x63: {  	_ = 	snop  }
0x64: {  	[tilespmem:s18], [sflag:$0x1] =	stream.indirect.gather [hbm4b:s5+s21], $0x40, s31, s21, $0xb8;
	[tilespmem:$0x10A00] =	vst v63  }
0x65: {  	_ =	swait.ge [sflag:s26], $0x80  }
0x66: {  	[sflag:s26] =	ssyncset.done $0x0  }
0x67: {  	[sflag:s26] =	ssyncadd.s32 $0xFFFFFF80  }
0x68: {  	_ =	swait.ge [sflag:s28], $0x2000  }
0x69: {  	[sflag:s28] =	ssyncset.done $0x0  }
0x6a: {  	[sflag:s28] =	ssyncadd.s32 $0xFFFFE000  }
0x6b: {  	[spmem:s3] =	stream.indirect.scatter.add.f32 [tilespmem:s23], [sflag:$0x5], $0x40, s22, s21, $0xb8;
	[tilespmem:$0x10A00] =	vst v63  }
.Ltmp1:
0x6c: {  	_ =	swait.ge [sflag:s19], $0x2000;
	(pc) =	sbr.rel @p0 .LBB2_4-.Ltmp1, $4  }
0x6d: {  	[sflag:s19] =	ssyncset.done $0x0  }
0x6e: {  	s0 =	sadd.s32 s0, s17;
	[sflag:s19] =	ssyncadd.s32 $0xFFFFE000  }
0x6f: {  	[tilespmem:s22], [sflag:$0x4] =	stream.linear.gather [hbm4b:s0+s4], $0x80, $0x38;
	[tilespmem:$0x10A00] =	vst v63  }
0x70: {  	s1 =	sadd.s32 $0x100, s1;
	s0 =	sadd.s32 $0x80, s31;
	s31 =	sadd.s32 $0x100, s31  }
0x71: {  	[tilespmem:s23], [sflag:$0x2] =	stream.indirect.gather [hbm4b:s5+s21], $0x40, s0, s21, $0xb8;
	[tilespmem:$0x10A00] =	vst v63  }
0x72: {  	_ =	swait.ge [sflag:s24], $0x80  }
0x73: {  	[sflag:s24] =	ssyncset.done $0x0  }
0x74: {  	[sflag:s24] =	ssyncadd.s32 $0xFFFFFF80  }
0x75: {  	_ =	swait.ge [sflag:s25], $0x2000  }
0x76: {  	[sflag:s25] =	ssyncset.done $0x0  }
0x77: {  	[sflag:s25] =	ssyncadd.s32 $0xFFFFE000  }
0x78: {  	[spmem:s3] =	stream.indirect.scatter.add.f32 [tilespmem:s18], [sflag:$0x5], $0x40, s20, s21, $0xb8;
	[tilespmem:$0x10A00] =	vst v63  }
0x79: {  	_ =	swait.ge [sflag:s19], $0x2000  }
0x7a: {  	[sflag:s19] =	ssyncset.done $0x0  }
0x7b: {  	[sflag:s19] =	ssyncadd.s32 $0xFFFFE000  }
0x7c: {  	_ =	swait.ge [sflag:s26], $0x80  }
0x7d: {  	[sflag:s26] =	ssyncset.done $0x0  }
0x7e: {  	[sflag:s26] =	ssyncadd.s32 $0xFFFFFF80  }
0x7f: {  	_ =	swait.ge [sflag:s28], $0x2000  }
0x80: {  	[sflag:s28] =	ssyncset.done $0x0  }
0x81: {  	[sflag:s28] =	ssyncadd.s32 $0xFFFFE000  }
0x82: {  	[spmem:s3] =	stream.indirect.scatter.add.f32 [tilespmem:s23], [sflag:$0x5], $0x40, s22, s21, $0xb8;
	[tilespmem:$0x10A00] =	vst v63  }
0x83: {  	s31 =	stileid.u32;
	_ =	swait.ge [sflag:s19], $0x2000  }
0x84: {  	s1 =	sshrl.u32 s6, $0x3;
	s29 =	sadd.s32 $0x1, s29;
	[sflag:s19] =	ssyncset.done $0x0  }
0x85: {  	s0 =	sshll.u32 s31, $0x6;
	p0 =	sne.s32 s29, s15;
	[sflag:s19] =	ssyncadd.s32 $0xFFFFE000  }
.Ltmp2:
0x86: {  	s0 =	sor.u32 $0x1C05, s0;
	[bflag:$0x0] =	sbarrier.arrive $0xFFFF;
	(pc) =	sbr.rel @p0 .LBB2_1-.Ltmp2, $4  }
0x87: {  	[hbm:s14], [sflag:s0] =	dma.local [spmem:s1], $0x1400  }
0x88: {  	_ =	swait.ge [sflag:s19], $0x1400  }
0x89: {  	[sflag:s19] =	ssyncset.done $0x0  }
0x8a: {  	[sflag:s19] =	ssyncadd.s32 $0xFFFFEC00  }
0x8b: {  	_ =	sfence.sel $0x180000  }
0x8c: {  	[bflag:$0x0] =	sbarrier.arrive $0xFFFF  }
0x8d: {  	_ =	strace $0x9000004D  }
0x8e: {  	s0 =	stileid.u32;
	[bflag:$0x2] =	sbarrier.arrive $0xFFFF  }
0x8f: {  	p0 =	sne.s32 s0, $0x0;
	s0 =	rddreg [dreg:$0x3]  }
0x90: {  	s0 =	sadd.s32 @!p0 $0x100000, s0  }
0x91: {  	[sflag:s0] =	ssyncadd.tile.s32 @!p0 $0x1;
	_ =	shalt  }
.Lfunc_end2:
_tile_overlayer_lowered:
.L_overlay_start_2:
0x92: {  	(tag) =	ssettag $0x2  }
0x93: {  	s0 =	rddreg [dreg:$0x0];
	s2 =	stileid.u32  }
0x94: {  	s1 =	rddreg [dreg:$0x1];
	p0 =	sne.s32 s2, $0x0  }
0x95: {  	s3 =	rddreg [dreg:$0x2];
	[bflag:$0x3] =	sbarrier.arrive $0xFFFF;
	s2 =	simm.s32 @!p0 $0x1C05  }
0x96: {  	[timem:s3], [sflag:s2] =	dma.local @!p0 [hbm:s0], s1  }
0x97: {  	s0 =	simm.s32 @!p0 $0x5  }
0x98: {  	_ =	swait.ge @!p0 [sflag:s0], s1  }
0x99: {  	s1 =	ssub.s32 @!p0 $0x0, s1;
	[sflag:s0] =	ssyncset.done @!p0 $0x0  }
0x9a: {  	[sflag:s0] =	ssyncadd.s32 @!p0 s1  }
0x9b: {  	[bflag:$0x3] =	sbarrier.arrive $0xFFFF  }
0x9c: {  	_ =	shalt  }

// kernel: kernel.8.cloned.1.call-start
scs
__scs_entry_jumppad:
0x0: {  	(pc) =	sbr.rel $0x88, $3  }
0x1: {  	(tag) =	ssettag $0x0;
	lr =	simm.s32 $0x1  }
0x2: {  	[smem:$0x3F9B] =	sst lr;
	_ =	strace $0xD0000000  }
0x3: {  	_ = 	snop  }
0x4: {  	_ = 	snop  }
0x5: {  	_ = 	snop  }
0x6: {  	_ = 	snop  }
0x7: {  	_ = 	snop  }
__scs_overlays_trampoline_lowered:
0x8: {  	[smem:$0x3FAA] =	sst s0  }
0x9: {  	[smem:$0x3FAB] =	sst s1  }
0xa: {  	[smem:$0x3FAC] =	sst s2  }
0xb: {  	[smem:$0x3FAD] =	sst s3  }
0xc: {  	[smem:$0x3FAE] =	sst s4  }
0xd: {  	[smem:$0x3FAF] =	sst s5  }
0xe: {  	[smem:$0x3FB0] =	sst s6  }
0xf: {  	[smem:$0x3FB1] =	sst s7  }
0x10: {  	[smem:$0x3FB2] =	sst s8  }
0x11: {  	[smem:$0x3FB3] =	sst s9;
	s0 =	simm.s32 @!p0 $0x0  }
0x12: {  	s1 =	sld [smem:$0x3F99];
	s0 =	simm.s32 @p0 $0x1  }
0x13: {  	[smem:$0x3FB4] =	sst s0;
	s0 =	simm.s32 @!p1 $0x0  }
0x14: {  	s2 =	sld [smem:$0x3F98];
	s0 =	simm.s32 @p1 $0x1  }
0x15: {  	[smem:$0x3FB5] =	sst s0;
	s0 =	simm.s32 @!p2 $0x0  }
0x16: {  	s3 =	sld [smem:$0x3FDB];
	s0 =	simm.s32 @p2 $0x1  }
0x17: {  	s4 =	simm.s32 $0x1BF5;
	[smem:$0x3FB7] =	sst s0  }
0x18: {  	s0 =	sld [smem:$0x3F9A];
	_ =	swait.ge [sflag:s4], $0x0  }
0x19: {  	s7 =	sld [smem:$0x3F9B]  }
0x1a: {  	s8 =	sadd.s32 $0xFFFFE003, lr  }
0x1b: {  	s9 =	sadd.s32 $0xFFFFFEF7, lr;
	s5 =	simm.s32 $0xFFFFFFFF;
	p2 =	slt.u32 s8, $0xFFFFF086  }
0x1c: {  	p1 =	slt.u32 s9, $0xF7A;
	s5 =	simm.s32 @!p2 $0x0  }
0x1d: {  	s5 =	simm.s32 @p1 $0x1;
	p0 =	seq.s32 s7, s2  }
0x1e: {  	s7 =	smul.u32 @!p0 $0xF7A, s2;
	p2 =	seq.s32 @!p0 s5, $0x0  }
0x1f: {  	s9 =	smul.u32 $0xF7A, s1;
	s8 =	simm.s32 @!p0 $0x1BF5;
	p2 =	por !p2, p0  }
0x20: {  	[sflag:s8] =	ssyncset.s32 @!p0 $0xFFFFF086;
	s6 =	sadd.s32 @!p0 s3, s7;
	s7 =	simm.s32 @!p0 $0x108  }
0x21: {  	s3 =	sadd.s32 s3, s9;
	s6 =	sadd.s32 @!p0 $0x88, s6;
	s7 =	simm.s32 @p2 $0x1082  }
0x22: {  	[simem:s7], [sflag:s8] =	dma.local @!p0 [hbm:s6], $0xF7A  }
0x23: {  	s9 =	sor.u32 $0xD0000000, s2;
	s6 =	simm.s32 $0x108;
	_ =	swait.ge @!p0 [sflag:s8], $0x0  }
0x24: {  	s3 =	sadd.s32 $0x88, s3;
	s6 =	simm.s32 @!p1 $0x1082;
	[sflag:s4] =	ssyncset.s32 $0xFFFFF086  }
0x25: {  	[simem:s6], [sflag:s4] =	dma.local [hbm:s3], $0xF7A  }
0x26: {  	[smem:$0x3F9B] =	sst s1;
	(tag) =	ssettag s2;
	_ =	strace s9  }
0x27: {  	s1 =	sld [smem:$0x3FAB]  }
0x28: {  	s2 =	sld [smem:$0x3FAC]  }
0x29: {  	s4 =	sld [smem:$0x3FAE]  }
0x2a: {  	p0 =	seq.s32 s5, $0x0;
	s5 =	sld [smem:$0x3FAF]  }
0x2b: {  	s6 =	sld [smem:$0x3FB0]  }
0x2c: {  	s7 =	sld [smem:$0x3FB1]  }
0x2d: {  	s3 =	simm.s32 $0x108;
	s8 =	sld [smem:$0x3FB2]  }
0x2e: {  	s3 =	simm.s32 @!p0 $0x1082;
	s9 =	sld [smem:$0x3FB3]  }
0x2f: {  	lr =	sadd.s32 s0, s3;
	s0 =	sld [smem:$0x3FAA]  }
0x30: {  	s3 =	sld [smem:$0x3FAD]  }
0x31: {  	[smem:$0x3FB6] =	sst s10  }
0x32: {  	s10 =	sld [smem:$0x3FB4];
	_ =	sdelay $0x3  }
0x33: {  	p0 =	seq.s32 s10, $0x1;
	s10 =	sld [smem:$0x3FB6];
	_ =	sdelay $0x3  }
0x34: {  	[smem:$0x3FB6] =	sst s10  }
0x35: {  	s10 =	sld [smem:$0x3FB5];
	_ =	sdelay $0x3  }
0x36: {  	p1 =	seq.s32 s10, $0x1;
	s10 =	sld [smem:$0x3FB6];
	_ =	sdelay $0x3  }
0x37: {  	[smem:$0x3FB6] =	sst s10  }
0x38: {  	s10 =	sld [smem:$0x3FB7]  }
0x39: {  	_ = 	snop;
	(pc) =	sbr.ind lr, $3  }
0x3a: {  	_ = 	snop  }
0x3b: {  	_ = 	snop  }
0x3c: {  	p2 =	seq.s32 s10, $0x1;
	s10 =	sld [smem:$0x3FB6]  }
0x3d: {  	_ =	shalt  }
0x3e: {  	_ =	shalt  }
0x3f: {  	_ =	shalt  }
0x40: {  	_ =	shalt  }
0x41: {  	_ =	shalt  }
0x42: {  	_ =	shalt  }
0x43: {  	_ =	shalt  }
0x44: {  	_ =	shalt  }
0x45: {  	_ =	shalt  }
0x46: {  	_ =	shalt  }
0x47: {  	_ =	shalt  }
0x48: {  	_ =	shalt  }
0x49: {  	_ =	shalt  }
0x4a: {  	_ =	shalt  }
0x4b: {  	_ =	shalt  }
0x4c: {  	_ =	shalt  }
0x4d: {  	_ =	shalt  }
0x4e: {  	_ =	shalt  }
0x4f: {  	_ =	shalt  }
0x50: {  	_ =	shalt  }
0x51: {  	_ =	shalt  }
0x52: {  	_ =	shalt  }
0x53: {  	_ =	shalt  }
0x54: {  	_ =	shalt  }
0x55: {  	_ =	shalt  }
0x56: {  	_ =	shalt  }
0x57: {  	_ =	shalt  }
0x58: {  	_ =	shalt  }
0x59: {  	_ =	shalt  }
0x5a: {  	_ =	shalt  }
0x5b: {  	_ =	shalt  }
0x5c: {  	_ =	shalt  }
0x5d: {  	_ =	shalt  }
0x5e: {  	_ =	shalt  }
0x5f: {  	_ =	shalt  }
0x60: {  	_ =	shalt  }
0x61: {  	_ =	shalt  }
0x62: {  	_ =	shalt  }
0x63: {  	_ =	shalt  }
0x64: {  	_ =	shalt  }
0x65: {  	_ =	shalt  }
0x66: {  	_ =	shalt  }
0x67: {  	_ =	shalt  }
0x68: {  	_ =	shalt  }
0x69: {  	_ =	shalt  }
0x6a: {  	_ =	shalt  }
0x6b: {  	_ =	shalt  }
0x6c: {  	_ =	shalt  }
0x6d: {  	_ =	shalt  }
0x6e: {  	_ =	shalt  }
0x6f: {  	_ =	shalt  }
0x70: {  	_ =	shalt  }
0x71: {  	_ =	shalt  }
0x72: {  	_ =	shalt  }
0x73: {  	_ =	shalt  }
0x74: {  	_ =	shalt  }
0x75: {  	_ =	shalt  }
0x76: {  	_ =	shalt  }
0x77: {  	_ =	shalt  }
0x78: {  	_ =	shalt  }
0x79: {  	_ =	shalt  }
0x7a: {  	_ =	shalt  }
0x7b: {  	_ =	shalt  }
0x7c: {  	_ =	shalt  }
0x7d: {  	_ =	shalt  }
0x7e: {  	_ =	shalt  }
0x7f: {  	_ =	shalt  }
0x80: {  	_ =	shalt  }
0x81: {  	_ =	shalt  }
0x82: {  	_ =	shalt  }
0x83: {  	_ =	shalt  }
0x84: {  	_ =	shalt  }
0x85: {  	_ =	shalt  }
0x86: {  	_ =	shalt  }
0x87: {  	_ =	shalt  }
.Lfunc_end0:
.L_simem_size_0:
called_computation_lowered:
.L_overlay_start_0:
0x88: {  	s2 =	sld [smem:$0x3FD9]  }
0x89: {  	s3 =	sld [smem:$0x3FFE];
	_ =	sdelay $0x1  }
0x8a: {  	s1 =	srdreg.scid  }
0x8b: {  	s0 =	sand.u32 $0x1, s1  }
0x8c: {  	s17 =	sshll.u32 s0, $0xA;
	s2 =	sadd.s32 s3, s2  }
0x8d: {  	s2 =	sadd.s32 s2, s17  }
0x8e: {  	[smem:$0x3FC2] =	sst s2  }
0x8f: {  	_ = 	snop  }
0x90: {  	s2 =	sld [smem:$0x3FD0];
	(tm) =	ssettm $0x1  }
0x91: {  	s18 =	sld [smem:$0x3FFB];
	_ =	sdelay $0x3  }
0x92: {  	_ =	strace s18  }
0x93: {  	s3 =	sld [smem:$0x3FFC];
	_ =	sdelay $0x3  }
0x94: {  	_ =	strace s3  }
0x95: {  	s3 =	sld [smem:$0x3FFD];
	_ =	sdelay $0x3  }
0x96: {  	_ =	strace s3  }
0x97: {  	_ =	strace $0x8FFFFFFF  }
0x98: {  	s19 =	sld [smem:$0x3FDB];
	_ =	sdelay $0x1  }
0x99: {  	s4 =	simm.s32 $_scs_section_size  }
0x9a: {  	s5 =	simm.s32 $_size__tile_overlayer_lowered;
	s6 =	simm.s32 $_tile_overlayer_lowered  }
0x9b: {  	s22 =	simm.s32 $0x1BFF;
	s21 =	sshll.u32 s6, $0x1;
	s3 =	sadd.s32 s4, s19  }
0x9c: {  	s7 =	simm.s32 $0x0;
	s20 =	sshll.u32 s5, $0x1;
	s5 =	sadd.s32 s21, s3  }
0x9d: {  	[timem:s7], [sflag:s22] =	dma.local [hbm:s5], s20  }
0x9e: {  	_ =	swait.ge [sflag:s22], s20  }
0x9f: {  	s4 =	ssub.s32 $0x0, s20;
	[sflag:s22] =	ssyncset.done $0x0  }
0xa0: {  	[sflag:s22] =	ssyncadd.s32 s4;
	_ =	sdelay $0x1  }
0xa1: {  	s23 =	simm.s32 $0x1B8B  }
0xa2: {  	_ =	swait.ge [sflag:s23], $0x1  }
0xa3: {  	[sflag:s23] =	ssyncset.done $0x0  }
0xa4: {  	s25 =	simm.s32 $0x1B8E;
	s24 =	sld [smem:$0x3FFE];
	[sflag:s23] =	ssyncadd.s32 $0xFFFFFFFF  }
0xa5: {  	s26 =	simm.s32 $execute0_lowered;
	[smem:$0x3FD2] =	sst s25  }
0xa6: {  	s5 =	sshll.u32 s26, $0x1;
	_ =	strace $0x80000046;
	[dreg:$0x1] =	wrdreg $0xFFFFFFFF  }
0xa7: {  	s28 =	simm.s32 $_size_execute0_lowered;
	s3 =	sadd.s32 s3, s5;
	[dreg:$0x0] =	wrdreg $0x0  }
0xa8: {  	s5 =	sshll.u32 s28, $0x1;
	[dreg:$0x2] =	wrdreg s3  }
0xa9: {  	[dreg:$0x3] =	wrdreg s5  }
0xaa: {  	[dreg:$0x4] =	wrdreg $0xC0  }
0xab: {  	_ =	task [dreg:s7], $0x5FFFF  }
0xac: {  	[dreg:$0x1] =	wrdreg $0xFFFFFFFF  }
0xad: {  	[dreg:$0x0] =	wrdreg $0x60  }
0xae: {  	[dreg:$0x2] =	wrdreg s2  }
0xaf: {  	[dreg:$0x3] =	wrdreg s24  }
0xb0: {  	[dreg:$0x4] =	wrdreg $0x9  }
0xb1: {  	_ =	task.clear_ibuf [dreg:s7], $0x5FFFF;
	_ =	strace $0x90000046  }
0xb2: {  	s29 =	simm.s32 $0x9;
	_ =	strace $0x80000048  }
0xb3: {  	_ =	swait.ge [sflag:s29], $0x1  }
0xb4: {  	[sflag:s29] =	ssyncadd.s32 $0xFFFFFFFF  }
0xb5: {  	_ =	strace $0x90000048  }
0xb6: {  	_ =	sfence  }
0xb7: {  	s30 =	sld [smem:$0x0];
	_ =	sdelay $0x2  }
0xb8: {  	s31 =	sshll.u32 s1, $0xD;
	s1 =	sshrl.u32 s1, $0x2  }
0xb9: {  	s3 =	sand.u32 $0x4000, s31;
	s1 =	sadd.s32 s1, s30  }
0xba: {  	s0 =	sor.u32 s3, s0;
	s1 =	sshll.u32 s1, $0x11  }
0xbb: {  	s0 =	sor.u32 s1, s0  }
0xbc: {  	s0 =	sadd.s32 $0x8F2B, s0  }
0xbd: {  	[sflag:s0] =	ssyncadd.remote.s32 $0x1  }
0xbe: {  	_ =	sfence.sel $0xFFFF  }
0xbf: {  	[dreg:$0x0] =	wrdreg $0xFFFFFFFF;
	(pc) =	sbr.abs _section_cstart, $3  }
0xc0: {  	[dreg:$0x1] =	wrdreg $0xFFFFFFFF  }
0xc1: {  	_ =	task.clear_ibuf [dreg:s7], $0x2FFFF;
	_ =	strace $0x9FFFFFFF  }
0xc2: {  	(tm) =	ssettm $0x7FFFFFFF  }
0xc3: {  	_ =	shalt  }
tec
execute0_lowered:
.L_overlay_start_1:
0x0: {  	(tag) =	ssettag $0x1  }
0x1: {  	s0 =	srdreg.scid  }
0x2: {  	s3 =	sand.u32 $0x1, s0  }
0x3: {  	s4 =	rddreg [dreg:$0x0];
	s0 =	stileid.u32;
	s1 =	sshll.u32 s3, $0x4  }
0x4: {  	s5 =	rddreg [dreg:$0x1];
	s2 =	simm.s32 $0x0;
	s6 =	sor.u32 s0, s1  }
0x5: {  	s9 =	simm.s32 $0x400;
	[smem:$0x7FF] =	sst s2;
	s7 =	sshrl.u32 s6, $0x3  }
0x6: {  	s8 =	sshll.u32 s0, $0x7;
	s3 =	ssub.s32 $0x2, s3;
	s7 =	smul.u32 $0x14000, s7  }
0x7: {  	s1 =	rddreg [dreg:$0x2];
	s8 =	sand.u32 $0x380, s8;
	s6 =	smul.u32 $0x520, s6  }
0x8: {  	_ =	strace $0x80000047;
	s30 =	sshrl.u32 s3, $0x1;
	s7 =	sor.u32 s8, s7  }
0x9: {  	s31 =	ssub.s32 s3, s30;
	s3 =	sadd.s32 s4, s6;
	s7 =	sshrl.u32 s7, $0x3  }
0xa: {  	s6 =	simm.s32 $0x1;
	s8 =	simm.s32 $0x80;
	s5 =	sadd.s32 s7, s5  }
0xb: {  	v0 =	vimm.f32 $0.0e+00;
	s7 =	simm.s32 $0x2900;
	s4 =	sadd.s32 $0x1C00, s5;
	s5 =	smax.u32 s31, $0x1  }
.LBB2_1:
0xc: {  	s10 =	simm.s32 $0x40;
	s11 =	simm.s32 $0x0  }
.LBB2_2:
0xd: {  	p0 =	sne.s32 s10, $0x9FC0;
	[tilespmem:s11+$0x2900] =	vst v0;
	s11 =	smov.u32 s10;
	s10 =	sadd.s32 $0x40, s10  }
.Ltmp0:
0xe: {  	(pc) =	sbr.rel @p0 .LBB2_2-.Ltmp0, $2  }
0xf: {  	_ =	sdelay $0x2  }
0x10: {  	s11 =	sshra.s32 s11, $0x2  }
0x11: {  	[tilespmem:s11+$0x2900] =	vst v0;
	s10 =	simm.s32 $0x0  }
0x12: {  	[tilespmem:s10], [sflag:$0x1] =	stream.linear.gather [hbm4b:s3+s10], $0x2900, $0x38;
	[tilespmem:$0x5100] =	vst v63  }
0x13: {  	_ =	swait.ge [sflag:s6], $0x2900  }
0x14: {  	[sflag:s6] =	ssyncset.done $0x0  }
0x15: {  	s11 =	simm.s32 $0x0;
	s10 =	simm.s32 $0x40;
	[sflag:s6] =	ssyncadd.s32 $0xFFFFD700  }
.LBB2_4:
0x16: {  	p0 =	sne.s32 s10, $0xA3C0;
	v1 =	vld [tilespmem:s11+$0x0];
	_ =	sdelay $0x4  }
0x17: {  	(xrf1) =	vunique.msk.u32 $0xffff, v1;
	_ =	sdelay $0xd  }
0x18: {  	_, v2, vm0 =	vpop (xrf1);
	_ =	sdelay $0x1  }
.Ltmp1:
0x19: {  	(pc) =	sbr.rel @p0 .LBB2_4-.Ltmp1, $3  }
0x1a: {  	_ = 	snop  }
0x1b: {  	v2 =	vcvt.s32.f32 v2;
	_ =	sdelay $0x1  }
0x1c: {  	s11 =	sshra.s32 s10, $0x2;
	s10 =	sadd.s32 $0x40, s10;
	[tilespmem:v1+s7+$0x0] =	vst.idx.add.f32.msk vm0, v2  }
0x1d: {  	v1 =	vld [tilespmem:s11+$0x0];
	_ =	sdelay $0x4  }
0x1e: {  	(xrf1) =	vunique.msk.u32 $0xffff, v1;
	_ =	sdelay $0xd  }
0x1f: {  	_, v2, vm0 =	vpop (xrf1);
	_ =	sdelay $0x3  }
0x20: {  	s2 =	sadd.s32 $0x1, s2;
	v2 =	vcvt.s32.f32 v2  }
0x21: {  	p0 =	sne.s32 s2, s5  }
.Ltmp2:
0x22: {  	[tilespmem:v1+s7+$0x0] =	vst.idx.add.f32.msk vm0, v2;
	(pc) =	sbr.rel @p0 .LBB2_1-.Ltmp2, $4  }
0x23: {  	[hbm4b:s4+s8] =	stream.strided.scatter [tilespmem:s7], [sflag:$0x1], $0x2800, s9, s8, $0x38;
	[tilespmem:$0x5100] =	vst v63  }
0x24: {  	_ =	swait.ge [sflag:s6], $0x2800  }
0x25: {  	[sflag:s6] =	ssyncset.done $0x0  }
0x26: {  	[sflag:s6] =	ssyncadd.s32 $0xFFFFD800  }
0x27: {  	_ =	sfence.sel $0x180000  }
0x28: {  	[bflag:$0x0] =	sbarrier.arrive $0xFFFF  }
0x29: {  	p0 =	sne.s32 s0, $0x0;
	_ =	strace $0x90000047  }
0x2a: {  	s0 =	sadd.s32 @!p0 $0x100000, s1;
	[bflag:$0x2] =	sbarrier.arrive $0xFFFF  }
0x2b: {  	[sflag:s0] =	ssyncadd.tile.s32 @!p0 $0x1;
	_ =	shalt  }
.Lfunc_end2:
_tile_overlayer_lowered:
.L_overlay_start_2:
0x2c: {  	(tag) =	ssettag $0x2  }
0x2d: {  	s0 =	rddreg [dreg:$0x0];
	s2 =	stileid.u32  }
0x2e: {  	s1 =	rddreg [dreg:$0x1];
	p0 =	sne.s32 s2, $0x0  }
0x2f: {  	s3 =	rddreg [dreg:$0x2];
	[bflag:$0x3] =	sbarrier.arrive $0xFFFF;
	s2 =	simm.s32 @!p0 $0x1C01  }
0x30: {  	[timem:s3], [sflag:s2] =	dma.local @!p0 [hbm:s0], s1  }
0x31: {  	s0 =	simm.s32 @!p0 $0x1  }
0x32: {  	_ =	swait.ge @!p0 [sflag:s0], s1  }
0x33: {  	s1 =	ssub.s32 @!p0 $0x0, s1;
	[sflag:s0] =	ssyncset.done @!p0 $0x0  }
0x34: {  	[sflag:s0] =	ssyncadd.s32 @!p0 s1  }
0x35: {  	[bflag:$0x3] =	sbarrier.arrive $0xFFFF  }
0x36: {  	_ =	shalt  }

</sc_bundles>
